<compile_context>
chip_gen: v7x
topology: tpu7x:2x2x1
jax: 0.10.2.dev20260603
libtpu: 0.0.44.dev20260713+nightly
codegen_flags: <defaults>
</compile_context>

<pallas_src>
import functools

import jax
import jax.numpy as jnp
from jax import lax
from jax.experimental import pallas as pl
from jax.experimental.pallas import tpu as pltpu
from jax.experimental.pallas import tpu_sc as plsc

N = 10000
E = 320000
D = 128
H = 64

NC = 2
NS = 16
NW = NC * NS
NP = 313
N_PAD = NW * NP

CH = 10000
G = 256
CAP = E + 2 * CH

_SRC_MASK = (1 << 14) - 1


def _worker_id():
    return lax.axis_index("s") * NC + lax.axis_index("c")


def _memset_i32(ref, n, value):
    v = jnp.full((16,), value, jnp.int32)

    def body(i, carry):
        ref[pl.ds(i * 16, 16)] = v
        return carry

    lax.fori_loop(0, n // 16, body, 0)


def _bucket_body(dst_hbm, src_hbm, bucket_hbm, counts_hbm,
                 dst_v0, dst_v1, src_v0, src_v1, sel_v, cnt_v, sems):
    dst_b = (dst_v0, dst_v1)
    src_b = (src_v0, src_v1)
    w = _worker_id()
    lo = w * NP
    hi = lo + NP
    lo_v = jnp.full((16,), lo, jnp.int32)
    hi_v = jnp.full((16,), hi, jnp.int32)
    trash = (NP << 14) | lo
    _memset_i32(sel_v, CH + 16, trash)

    def load(c, u):
        base = pl.ds(pl.multiple_of(c * CH, 8), CH)
        pltpu.async_copy(dst_hbm.at[base], dst_b[u], sems.at[2 * u])
        pltpu.async_copy(src_hbm.at[base], src_b[u], sems.at[2 * u + 1])

    def wait(c, u):
        base = pl.ds(pl.multiple_of(c * CH, 8), CH)
        pltpu.make_async_copy(dst_hbm.at[base], dst_b[u], sems.at[2 * u]).wait()
        pltpu.make_async_copy(src_hbm.at[base], src_b[u], sems.at[2 * u + 1]).wait()

    def filter_chunk(c, u, off):
        def filt(i, cnt):
            d = dst_b[u][pl.ds(i * 16, 16)]
            s = src_b[u][pl.ds(i * 16, 16)]
            m = (d >= lo_v) & (d < hi_v)
            packed = ((d - lo_v) << 14) | s
            pos = plsc.cumsum(m.astype(jnp.int32)) + (cnt - 1)
            plsc.store_scatter(sel_v, [pos], packed, mask=m)
            pc = plsc.all_reduce_population_count(m)
            return cnt + pc[0]

        cnt = lax.fori_loop(0, CH // 16, filt, 0)
        sel_v[pl.ds(cnt, 16)] = jnp.full((16,), trash, jnp.int32)
        cnt_p = (cnt + 7) & ~7
        pltpu.sync_copy(sel_v.at[pl.ds(0, CH)],
                        bucket_hbm.at[pl.ds(pl.multiple_of(w * CAP + off, 8), CH)])
        return off + cnt_p

    load(0, 0)

    def pair(i, off):
        c0 = i * 2
        load(c0 + 1, 1)
        wait(c0, 0)
        off = filter_chunk(c0, 0, off)
        load(c0 + 2, 0)
        wait(c0 + 1, 1)
        off = filter_chunk(c0 + 1, 1, off)
        return off

    off = lax.fori_loop(0, E // CH // 2 - 1, pair, 0)
    c0 = E // CH - 2
    load(c0 + 1, 1)
    wait(c0, 0)
    off = filter_chunk(c0, 0, off)
    wait(c0 + 1, 1)
    off = filter_chunk(c0 + 1, 1, off)
    pltpu.sync_copy(sel_v.at[pl.ds(0, CH)], bucket_hbm.at[pl.ds(pl.multiple_of(w * CAP + off, 8), CH)])
    cnt_v[...] = jnp.full((16,), off, jnp.int32)
    pltpu.sync_copy(cnt_v, counts_hbm.at[pl.ds(pl.multiple_of(w * 16, 8), 16)])


@functools.partial(jax.jit, static_argnums=())
def _bucket(dst, src):
    mesh = plsc.VectorSubcoreMesh(core_axis_name="c", subcore_axis_name="s")
    kern = pl.kernel(
        _bucket_body,
        out_type=[
            jax.ShapeDtypeStruct((NW * CAP,), jnp.int32),
            jax.ShapeDtypeStruct((NW * 16,), jnp.int32),
        ],
        mesh=mesh,
        compiler_params=pltpu.CompilerParams(needs_layout_passes=False),
        scratch_types=[
            pltpu.VMEM((CH,), jnp.int32),
            pltpu.VMEM((CH,), jnp.int32),
            pltpu.VMEM((CH,), jnp.int32),
            pltpu.VMEM((CH,), jnp.int32),
            pltpu.VMEM((CH + 16,), jnp.int32),
            pltpu.VMEM((16,), jnp.int32),
            pltpu.SemaphoreType.DMA((4,)),
        ],
    )
    return kern(dst, src)


def _agg_body(F, h_hbm, bucket_hbm, counts_hbm, out_hbm,
              pk_v, idx_v0, idx_v1, loc_v0, loc_v1, rows_v0, rows_v1,
              acc_v, cnt_v, sems):
    idx_b = (idx_v0, idx_v1)
    loc_b = (loc_v0, loc_v1)
    rows_b = (rows_v0, rows_v1)
    w = _worker_id()
    pltpu.sync_copy(counts_hbm.at[pl.ds(pl.multiple_of(w * 16, 8), 16)], cnt_v)
    cnt = jnp.max(cnt_v[...])

    neginf = jnp.full((16,), -jnp.inf, jnp.float32)

    def init(i, carry):
        acc_v[pl.ds(i * 16, 16)] = neginf
        return carry

    lax.fori_loop(0, (NP + 1) * F // 16, init, 0)

    def prep(b, u):
        pltpu.sync_copy(
            bucket_hbm.at[pl.ds(pl.multiple_of(w * CAP + b * G, 8), G)], pk_v)
        for j in range(G // 16):
            p = pk_v[pl.ds(j * 16, 16)]
            idx_b[u][pl.ds(j * 16, 16)] = p & _SRC_MASK
            loc_b[u][pl.ds(j * 16, 16)] = lax.shift_right_logical(p, 14)
        pltpu.async_copy(h_hbm.at[idx_b[u]], rows_b[u], sems.at[u])

    def wait(u):
        pltpu.make_async_copy(h_hbm.at[idx_b[u]], rows_b[u],
                              sems.at[u]).wait()

    def process(u):
        def edge16(g, c2):
            loc16 = loc_b[u][pl.ds(g * 16, 16)] * F
            for k in range(16):
                base = loc16[k]
                for f in range(F // 16):
                    a = acc_v[pl.ds(base + f * 16, 16)]
                    r = rows_b[u][g * 16 + k, pl.ds(f * 16, 16)]
                    acc_v[pl.ds(base + f * 16, 16)] = jnp.maximum(a, r)
            return c2

        lax.fori_loop(0, G // 16, edge16, 0)

    prep(0, 0)
    nb2 = lax.div(cnt + (2 * G - 1), 2 * G)

    def pairb(i, carry):
        b0 = i * 2
        prep(b0 + 1, 1)
        wait(0)
        process(0)
        prep(b0 + 2, 0)
        wait(1)
        process(1)
        return carry

    lax.fori_loop(0, nb2, pairb, 0)
    wait(0)
    pltpu.sync_copy(acc_v.at[pl.ds(0, NP * F)],
                    out_hbm.at[pl.ds(pl.multiple_of(w * NP * F, 8), NP * F)])


def _make_agg(F):
    mesh = plsc.VectorSubcoreMesh(core_axis_name="c", subcore_axis_name="s")
    return pl.kernel(
        functools.partial(_agg_body, F),
        out_type=jax.ShapeDtypeStruct((N_PAD * F,), jnp.float32),
        mesh=mesh,
        compiler_params=pltpu.CompilerParams(needs_layout_passes=False,
                                             use_tc_tiling_on_sc=False),
        scratch_types=[
            pltpu.VMEM((G,), jnp.int32),
            pltpu.VMEM((G,), jnp.int32),
            pltpu.VMEM((G,), jnp.int32),
            pltpu.VMEM((G,), jnp.int32),
            pltpu.VMEM((G,), jnp.int32),
            pltpu.VMEM((G, F), jnp.float32),
            pltpu.VMEM((G, F), jnp.float32),
            pltpu.VMEM(((NP + 1) * F,), jnp.float32),
            pltpu.VMEM((16,), jnp.int32),
            pltpu.SemaphoreType.DMA((2,)),
        ],
    )


def _mm_body(relu, logsoftmax, agg_ref, h_ref, wl_ref, bl_ref, wr_ref, o_ref):
    agg = agg_ref[...]
    aggf = jnp.where(agg == -jnp.inf, 0.0, agg)
    z = lax.dot_general(aggf, wl_ref[...], (((1,), (1,)), ((), ())),
                        preferred_element_type=jnp.float32)
    z = z + bl_ref[...]
    z = z + lax.dot_general(h_ref[...], wr_ref[...], (((1,), (1,)), ((), ())),
                            preferred_element_type=jnp.float32)
    if relu:
        z = jnp.maximum(z, 0.0)
    if logsoftmax:
        zmax = jnp.max(z, axis=1, keepdims=True)
        zs = z - zmax
        z = zs - jnp.log(jnp.sum(jnp.exp(zs), axis=1, keepdims=True))
    o_ref[...] = z


def _mm(agg, h, Wl, bl, Wr, relu, logsoftmax):
    Fo = Wl.shape[0]
    return pl.pallas_call(
        functools.partial(_mm_body, relu, logsoftmax),
        out_shape=jax.ShapeDtypeStruct((N_PAD, Fo), jnp.float32),
    )(agg, h, Wl, bl.reshape(1, Fo), Wr)


def kernel(x, edge_index, Wl1, bl1, Wr1, Wl2, bl2, Wr2, Wl3, bl3, Wr3):
    src = edge_index[0]
    dst = edge_index[1]
    x_pad = jnp.zeros((N_PAD, D), jnp.float32).at[:N].set(x)

    bucket, counts = _bucket(dst, src)

    agg1 = _make_agg(D)(x_pad, bucket, counts).reshape(N_PAD, D)
    h1 = _mm(agg1, x_pad, Wl1, bl1, Wr1, relu=True, logsoftmax=False)

    agg2 = _make_agg(H)(h1, bucket, counts).reshape(N_PAD, H)
    h2 = _mm(agg2, h1, Wl2, bl2, Wr2, relu=True, logsoftmax=False)

    agg3 = _make_agg(H)(h2, bucket, counts).reshape(N_PAD, H)
    h3 = _mm(agg3, h2, Wl3, bl3, Wr3, relu=False, logsoftmax=True)

    return h3[:N]

# --- scband reference (transcript-rebuilt; emitter-appended) ---
"""Pipeline reference for scband-graph-sagemodel-51642686767944 (READ-ONLY COPY).

The authoritative reference and input builder live on the scoring server;
editing this copy changes nothing except your own understanding.
"""

import jax, jax.numpy as jnp
import numpy as np

N = 10000
E = 320000
D = 128
H = 64


def setup_inputs(seed: int = 0) -> dict:
    key = jax.random.key(seed)
    ks = jax.random.split(key, 12)
    x = jax.random.normal(ks[0], (N, D), dtype=jnp.float32)
    edge_index = jax.random.randint(ks[1], (2, E), 0, N, dtype=jnp.int32)
    s1 = 1.0 / np.sqrt(D)
    s2 = 1.0 / np.sqrt(H)
    Wl1 = jax.random.uniform(ks[2], (H, D), minval=-s1, maxval=s1, dtype=jnp.float32)
    bl1 = jax.random.uniform(ks[3], (H,), minval=-s1, maxval=s1, dtype=jnp.float32)
    Wr1 = jax.random.uniform(ks[4], (H, D), minval=-s1, maxval=s1, dtype=jnp.float32)
    Wl2 = jax.random.uniform(ks[5], (H, H), minval=-s2, maxval=s2, dtype=jnp.float32)
    bl2 = jax.random.uniform(ks[6], (H,), minval=-s2, maxval=s2, dtype=jnp.float32)
    Wr2 = jax.random.uniform(ks[7], (H, H), minval=-s2, maxval=s2, dtype=jnp.float32)
    Wl3 = jax.random.uniform(ks[8], (H, H), minval=-s2, maxval=s2, dtype=jnp.float32)
    bl3 = jax.random.uniform(ks[9], (H,), minval=-s2, maxval=s2, dtype=jnp.float32)
    Wr3 = jax.random.uniform(ks[10], (H, H), minval=-s2, maxval=s2, dtype=jnp.float32)
    return {"x": x, "edge_index": edge_index,
            "Wl1": Wl1, "bl1": bl1, "Wr1": Wr1,
            "Wl2": Wl2, "bl2": bl2, "Wr2": Wr2,
            "Wl3": Wl3, "bl3": bl3, "Wr3": Wr3}


def _sage_conv(h, src, dst, Wl, bl, Wr):
    # PyG SAGEConv with aggr='max': out = lin_l(max_j x_j) + lin_r(x_i)
    msgs = jnp.take(h, src, axis=0)
    agg = jax.ops.segment_max(msgs, dst, num_segments=N)
    # nodes with no in-edges get -inf from segment_max; PyG fills with 0
    agg = jnp.where(jnp.isfinite(agg), agg, 0.0)
    return agg @ Wl.T + bl + h @ Wr.T


def reference(x, edge_index, Wl1, bl1, Wr1, Wl2, bl2, Wr2, Wl3, bl3, Wr3):
    src = edge_index[0]
    dst = edge_index[1]
    h = jax.nn.relu(_sage_conv(x, src, dst, Wl1, bl1, Wr1))
    h = jax.nn.relu(_sage_conv(h, src, dst, Wl2, bl2, Wr2))
    h = _sage_conv(h, src, dst, Wl3, bl3, Wr3)
    return jax.nn.log_softmax(h, axis=1)

if __name__ == "__main__":
    import jax
    _d = setup_inputs()
    print(jax.jit(kernel)(*tuple(_d.values())))

</pallas_src>

<mosaic_0001>
#map = affine_map<(d0, d1) -> (0)>
module attributes {stable_mosaic.version = 14 : i64} {
  func.func @_bucket_body(%arg0: i32, %arg1: i32, %arg2: memref<320000xi32, #tpu.memory_space<hbm>>, %arg3: memref<320000xi32, #tpu.memory_space<hbm>>, %arg4: memref<10880000xi32, #tpu.memory_space<hbm>>, %arg5: memref<512xi32, #tpu.memory_space<hbm>>, %arg6: memref<10000xi32, #tpu.memory_space<vmem>>, %arg7: memref<10000xi32, #tpu.memory_space<vmem>>, %arg8: memref<10000xi32, #tpu.memory_space<vmem>>, %arg9: memref<10000xi32, #tpu.memory_space<vmem>>, %arg10: memref<10016xi32, #tpu.memory_space<vmem>>, %arg11: memref<16xi32, #tpu.memory_space<vmem>>, %arg12: memref<4x!tpu.dma_semaphore, #tpu.memory_space<semaphore_mem>>) attributes {dimension_semantics = [#tpu.dimension_semantics<core_parallel>, #tpu.dimension_semantics<subcore_parallel>], iteration_bounds = array<i64: 2, 16>, scalar_prefetch = 0 : i64, scratch_operands = 7 : i64, tpu.core_type = #tpu.core_type<sc_vector_subcore>, window_params = [{transform_indices = #map}, {transform_indices = #map}, {transform_indices = #map}, {transform_indices = #map}]} {
    %mul3A = arith.constant 2 : i32
    %mul3A_0 = arith.muli %arg1, %mul3A : i32
    %add3A = arith.addi %mul3A_0, %arg0 : i32
    %mul3A_1 = arith.constant 313 : i32
    %mul3A_2 = arith.muli %add3A, %mul3A_1 : i32
    %add3A_3 = arith.constant 313 : i32
    %add3A_4 = arith.addi %mul3A_2, %add3A_3 : i32
    %broadcast_in_dim3A = vector.broadcast %mul3A_2 : i32 to vector<16xi32>
    %broadcast_in_dim3A_5 = vector.broadcast %add3A_4 : i32 to vector<16xi32>
    %or3A = arith.constant 5128192 : i32
    %or3A_6 = arith.ori %or3A, %mul3A_2 : i32
    %broadcast_in_dim3A_7 = vector.broadcast %or3A_6 : i32 to vector<16xi32>
    %scan3A = arith.constant 0 : i32
    %scan3A_8 = arith.constant 0 : i32
    %scan3A_9 = arith.constant 626 : i32
    %scan3A_10 = arith.addi %scan3A_8, %scan3A_9 : i32
    %scan3A_11 = arith.constant 1 : i32
    scf.for %scan3A_111 = %scan3A_8 to %scan3A_10 step %scan3A_11  : i32 {
      %mul3A_112 = arith.constant 16 : i32
      %mul3A_113 = arith.muli %scan3A_111, %mul3A_112 : i32
      %swap3A_114 = arith.index_cast %mul3A_113 : i32 to index
      %swap3A_115 = tpu.vector_load %arg10[%swap3A_114] {strides = array<i32>} : memref<10016xi32, #tpu.memory_space<vmem>>, vector<16xi32>,
      tpu.vector_store %arg10[%swap3A_114], %broadcast_in_dim3A_7 {strides = array<i32>} : memref<10016xi32, #tpu.memory_space<vmem>>, vector<16xi32>,
    }
    %scan3A_12 = arith.constant 626 : i32
    %multiple_of3A = arith.constant 0 : i32
    %multiple_of3A_13 = tpu.assume_multiple %multiple_of3A, 8 : i32
    %dma_start3A = arith.constant 0 : i32
    %dma_start3A_14 = tpu.memref_slice %arg2[%multiple_of3A_13] : memref<320000xi32, #tpu.memory_space<hbm>> -> memref<10000xi32, #tpu.memory_space<hbm>>
    %dma_start3A_15 = tpu.memref_slice %arg12[%dma_start3A] : memref<4x!tpu.dma_semaphore, #tpu.memory_space<semaphore_mem>> -> memref<1x!tpu.dma_semaphore, #tpu.memory_space<semaphore_mem>>
    %dma_start3A_16 = tpu.memref_squeeze %dma_start3A_15 : memref<1x!tpu.dma_semaphore, #tpu.memory_space<semaphore_mem>> -> memref<!tpu.dma_semaphore, #tpu.memory_space<semaphore_mem>>
    %dma_start3A_17 = tpu.memref_slice %arg2[%multiple_of3A_13] : memref<320000xi32, #tpu.memory_space<hbm>> -> memref<10000xi32, #tpu.memory_space<hbm>>
    tpu.enqueue_dma source(%dma_start3A_17 : memref<10000xi32, #tpu.memory_space<hbm>>) target(%arg6 : memref<10000xi32, #tpu.memory_space<vmem>>) target_semaphore(%dma_start3A_16 : memref<!tpu.dma_semaphore, #tpu.memory_space<semaphore_mem>>)
    %dma_start3A_18 = arith.constant 1 : i32
    %dma_start3A_19 = tpu.memref_slice %arg3[%multiple_of3A_13] : memref<320000xi32, #tpu.memory_space<hbm>> -> memref<10000xi32, #tpu.memory_space<hbm>>
    %dma_start3A_20 = tpu.memref_slice %arg12[%dma_start3A_18] : memref<4x!tpu.dma_semaphore, #tpu.memory_space<semaphore_mem>> -> memref<1x!tpu.dma_semaphore, #tpu.memory_space<semaphore_mem>>
    %dma_start3A_21 = tpu.memref_squeeze %dma_start3A_20 : memref<1x!tpu.dma_semaphore, #tpu.memory_space<semaphore_mem>> -> memref<!tpu.dma_semaphore, #tpu.memory_space<semaphore_mem>>
    %dma_start3A_22 = tpu.memref_slice %arg3[%multiple_of3A_13] : memref<320000xi32, #tpu.memory_space<hbm>> -> memref<10000xi32, #tpu.memory_space<hbm>>
    tpu.enqueue_dma source(%dma_start3A_22 : memref<10000xi32, #tpu.memory_space<hbm>>) target(%arg8 : memref<10000xi32, #tpu.memory_space<vmem>>) target_semaphore(%dma_start3A_21 : memref<!tpu.dma_semaphore, #tpu.memory_space<semaphore_mem>>)
    %scan3A_23 = arith.constant 0 : i32
    %scan3A_24 = arith.constant 0 : i32
    %scan3A_25 = arith.constant 15 : i32
    %scan3A_26 = arith.addi %scan3A_24, %scan3A_25 : i32
    %scan3A_27 = arith.constant 1 : i32
    %scan3A_28 = scf.for %scan3A_111 = %scan3A_24 to %scan3A_26 step %scan3A_27 iter_args(%scan3A_112 = %scan3A_23) -> (i32)  : i32 {
      %mul3A_113 = arith.constant 2 : i32
      %mul3A_114 = arith.muli %scan3A_111, %mul3A_113 : i32
      %add3A_115 = arith.constant 1 : i32
      %add3A_116 = arith.addi %mul3A_114, %add3A_115 : i32
      %mul3A_117 = arith.constant 10000 : i32
      %mul3A_118 = arith.muli %add3A_116, %mul3A_117 : i32
      %multiple_of3A_119 = tpu.assume_multiple %mul3A_118, 8 : i32
      %dma_start3A_120 = arith.constant 2 : i32
      %dma_start3A_121 = tpu.memref_slice %arg2[%multiple_of3A_119] : memref<320000xi32, #tpu.memory_space<hbm>> -> memref<10000xi32, #tpu.memory_space<hbm>>
      %dma_start3A_122 = tpu.memref_slice %arg12[%dma_start3A_120] : memref<4x!tpu.dma_semaphore, #tpu.memory_space<semaphore_mem>> -> memref<1x!tpu.dma_semaphore, #tpu.memory_space<semaphore_mem>>
      %dma_start3A_123 = tpu.memref_squeeze %dma_start3A_122 : memref<1x!tpu.dma_semaphore, #tpu.memory_space<semaphore_mem>> -> memref<!tpu.dma_semaphore, #tpu.memory_space<semaphore_mem>>
      %dma_start3A_124 = tpu.memref_slice %arg2[%multiple_of3A_119] : memref<320000xi32, #tpu.memory_space<hbm>> -> memref<10000xi32, #tpu.memory_space<hbm>>
      tpu.enqueue_dma source(%dma_start3A_124 : memref<10000xi32, #tpu.memory_space<hbm>>) target(%arg7 : memref<10000xi32, #tpu.memory_space<vmem>>) target_semaphore(%dma_start3A_123 : memref<!tpu.dma_semaphore, #tpu.memory_space<semaphore_mem>>)
      %dma_start3A_125 = arith.constant 3 : i32
      %dma_start3A_126 = tpu.memref_slice %arg3[%multiple_of3A_119] : memref<320000xi32, #tpu.memory_space<hbm>> -> memref<10000xi32, #tpu.memory_space<hbm>>
      %dma_start3A_127 = tpu.memref_slice %arg12[%dma_start3A_125] : memref<4x!tpu.dma_semaphore, #tpu.memory_space<semaphore_mem>> -> memref<1x!tpu.dma_semaphore, #tpu.memory_space<semaphore_mem>>
      %dma_start3A_128 = tpu.memref_squeeze %dma_start3A_127 : memref<1x!tpu.dma_semaphore, #tpu.memory_space<semaphore_mem>> -> memref<!tpu.dma_semaphore, #tpu.memory_space<semaphore_mem>>
      %dma_start3A_129 = tpu.memref_slice %arg3[%multiple_of3A_119] : memref<320000xi32, #tpu.memory_space<hbm>> -> memref<10000xi32, #tpu.memory_space<hbm>>
      tpu.enqueue_dma source(%dma_start3A_129 : memref<10000xi32, #tpu.memory_space<hbm>>) target(%arg9 : memref<10000xi32, #tpu.memory_space<vmem>>) target_semaphore(%dma_start3A_128 : memref<!tpu.dma_semaphore, #tpu.memory_space<semaphore_mem>>)
      %mul3A_130 = arith.constant 10000 : i32
      %mul3A_131 = arith.muli %mul3A_114, %mul3A_130 : i32
      %multiple_of3A_132 = tpu.assume_multiple %mul3A_131, 8 : i32
      %dma_wait3A_133 = arith.constant 0 : i32
      %dma_wait3A_134 = tpu.memref_slice %arg2[%multiple_of3A_132] : memref<320000xi32, #tpu.memory_space<hbm>> -> memref<10000xi32, #tpu.memory_space<hbm>>
      %dma_wait3A_135 = tpu.memref_slice %arg12[%dma_wait3A_133] : memref<4x!tpu.dma_semaphore, #tpu.memory_space<semaphore_mem>> -> memref<1x!tpu.dma_semaphore, #tpu.memory_space<semaphore_mem>>
      %dma_wait3A_136 = tpu.memref_squeeze %dma_wait3A_135 : memref<1x!tpu.dma_semaphore, #tpu.memory_space<semaphore_mem>> -> memref<!tpu.dma_semaphore, #tpu.memory_space<semaphore_mem>>
      %dma_wait3A_137 = tpu.memref_slice %arg2[%multiple_of3A_132] : memref<320000xi32, #tpu.memory_space<hbm>> -> memref<10000xi32, #tpu.memory_space<hbm>>
      tpu.wait_dma2 semaphore(%dma_wait3A_136 : memref<!tpu.dma_semaphore, #tpu.memory_space<semaphore_mem>>) src(%dma_wait3A_137 : memref<10000xi32, #tpu.memory_space<hbm>>) dst(%arg6 : memref<10000xi32, #tpu.memory_space<vmem>>)
      %dma_wait3A_138 = arith.constant 1 : i32
      %dma_wait3A_139 = tpu.memref_slice %arg3[%multiple_of3A_132] : memref<320000xi32, #tpu.memory_space<hbm>> -> memref<10000xi32, #tpu.memory_space<hbm>>
      %dma_wait3A_140 = tpu.memref_slice %arg12[%dma_wait3A_138] : memref<4x!tpu.dma_semaphore, #tpu.memory_space<semaphore_mem>> -> memref<1x!tpu.dma_semaphore, #tpu.memory_space<semaphore_mem>>
      %dma_wait3A_141 = tpu.memref_squeeze %dma_wait3A_140 : memref<1x!tpu.dma_semaphore, #tpu.memory_space<semaphore_mem>> -> memref<!tpu.dma_semaphore, #tpu.memory_space<semaphore_mem>>
      %dma_wait3A_142 = tpu.memref_slice %arg3[%multiple_of3A_132] : memref<320000xi32, #tpu.memory_space<hbm>> -> memref<10000xi32, #tpu.memory_space<hbm>>
      tpu.wait_dma2 semaphore(%dma_wait3A_141 : memref<!tpu.dma_semaphore, #tpu.memory_space<semaphore_mem>>) src(%dma_wait3A_142 : memref<10000xi32, #tpu.memory_space<hbm>>) dst(%arg8 : memref<10000xi32, #tpu.memory_space<vmem>>)
      %scan3A_143 = arith.constant 0 : i32
      %scan3A_144 = arith.constant 0 : i32
      %scan3A_145 = arith.constant 625 : i32
      %scan3A_146 = arith.addi %scan3A_144, %scan3A_145 : i32
      %scan3A_147 = arith.constant 1 : i32
      %scan3A_148 = scf.for %scan3A_213 = %scan3A_144 to %scan3A_146 step %scan3A_147 iter_args(%scan3A_214 = %scan3A_143) -> (i32)  : i32 {
        %mul3A_215 = arith.constant 16 : i32
        %mul3A_216 = arith.muli %scan3A_213, %mul3A_215 : i32
        %get3A = arith.index_cast %mul3A_216 : i32 to index
        %get3A_217 = tpu.vector_load %arg6[%get3A] {strides = array<i32>} : memref<10000xi32, #tpu.memory_space<vmem>>, vector<16xi32>,
        %mul3A_218 = arith.constant 16 : i32
        %mul3A_219 = arith.muli %scan3A_213, %mul3A_218 : i32
        %get3A_220 = arith.index_cast %mul3A_219 : i32 to index
        %get3A_221 = tpu.vector_load %arg8[%get3A_220] {strides = array<i32>} : memref<10000xi32, #tpu.memory_space<vmem>>, vector<16xi32>,
        %ge3A = arith.cmpi sge, %get3A_217, %broadcast_in_dim3A : vector<16xi32>
        %lt3A = arith.cmpi slt, %get3A_217, %broadcast_in_dim3A_5 : vector<16xi32>
        %and3A_222 = arith.andi %ge3A, %lt3A : vector<16xi1>
        %sub3A = arith.subi %get3A_217, %broadcast_in_dim3A : vector<16xi32>
        %shift_left3A = arith.constant 14 : i32
        %shift_left3A_223 = vector.broadcast %shift_left3A : i32 to vector<16xi32>
        %shift_left3A_224 = arith.shli %sub3A, %shift_left3A_223 : vector<16xi32>
        %or3A_225 = arith.ori %shift_left3A_224, %get3A_221 : vector<16xi32>
        %convert_element_type3A = arith.extui %and3A_222 : vector<16xi1> to vector<16xi32>
        %broadcast_in_dim3A_226 = arith.constant true
        %broadcast_in_dim3A_227 = vector.broadcast %broadcast_in_dim3A_226 : i1 to vector<16xi1>
        %masked_cumsum3A = tpu.scan <sum>, %convert_element_type3A masked %broadcast_in_dim3A_227 : vector<16xi32>, vector<16xi1> -> vector<16xi32>
        %sub3A_228 = arith.constant 1 : i32
        %sub3A_229 = arith.subi %scan3A_214, %sub3A_228 : i32
        %add3A_230 = vector.broadcast %sub3A_229 : i32 to vector<16xi32>
        %add3A_231 = arith.addi %masked_cumsum3A, %add3A_230 : vector<16xi32>
        tpu.vector_store_idx %arg10[%add3A_231], %or3A_225 masked %and3A_222 : memref<10016xi32, #tpu.memory_space<vmem>>[vector<16xi32>], vector<16xi32>, vector<16xi1>
        %all_reduce_population_count3A = tpu.all_reduce %and3A_222 {dim = 0 : i64, kind = #tpu.reduction_kind<sum>} : vector<16xi1> -> vector<16xi32>
        %slice3A = vector.extract_strided_slice %all_reduce_population_count3A {offsets = [0], sizes = [1], strides = [1]} : vector<16xi32> to vector<1xi32>
        %squeeze3A = vector.extract %slice3A[0] : i32 from vector<1xi32>
        %add3A_232 = arith.addi %scan3A_214, %squeeze3A : i32
        scf.yield %add3A_232 : i32
      }
      %scan3A_149 = arith.constant 625 : i32
      %broadcast_in_dim3A_150 = vector.broadcast %or3A_6 : i32 to vector<16xi32>
      %swap3A_151 = arith.index_cast %scan3A_148 : i32 to index
      %swap3A_152 = tpu.vector_load %arg10[%swap3A_151] {strides = array<i32>} : memref<10016xi32, #tpu.memory_space<vmem>>, vector<16xi32>,
      tpu.vector_store %arg10[%swap3A_151], %broadcast_in_dim3A_150 {strides = array<i32>} : memref<10016xi32, #tpu.memory_space<vmem>>, vector<16xi32>,
      %add3A_153 = arith.constant 7 : i32
      %add3A_154 = arith.addi %scan3A_148, %add3A_153 : i32
      %and3A_155 = arith.constant -8 : i32
      %and3A_156 = arith.andi %add3A_154, %and3A_155 : i32
      %mul3A_157 = arith.constant 340000 : i32
      %mul3A_158 = arith.muli %add3A, %mul3A_157 : i32
      %add3A_159 = arith.addi %mul3A_158, %scan3A_112 : i32
      %multiple_of3A_160 = tpu.assume_multiple %add3A_159, 8 : i32
      "tpu.region"() ({
        %run_scoped3A = tpu.sem_alloc : memref<!tpu.dma_semaphore, #tpu.memory_space<semaphore_mem>>
        %dma_start3A_213 = arith.constant 0 : i32
        %dma_start3A_214 = tpu.memref_slice %arg10[%dma_start3A_213] : memref<10016xi32, #tpu.memory_space<vmem>> -> memref<10000xi32, #tpu.memory_space<vmem>>
        %dma_start3A_215 = tpu.memref_slice %arg4[%multiple_of3A_160] : memref<10880000xi32, #tpu.memory_space<hbm>> -> memref<10000xi32, #tpu.memory_space<hbm>>
        %dma_start3A_216 = tpu.memref_slice %arg4[%multiple_of3A_160] : memref<10880000xi32, #tpu.memory_space<hbm>> -> memref<10000xi32, #tpu.memory_space<hbm>>
        %dma_start3A_217 = arith.constant 0 : i32
        %dma_start3A_218 = tpu.memref_slice %arg10[%dma_start3A_217] : memref<10016xi32, #tpu.memory_space<vmem>> -> memref<10000xi32, #tpu.memory_space<vmem>>
        tpu.enqueue_dma source(%dma_start3A_218 : memref<10000xi32, #tpu.memory_space<vmem>>) target(%dma_start3A_216 : memref<10000xi32, #tpu.memory_space<hbm>>) target_semaphore(%run_scoped3A : memref<!tpu.dma_semaphore, #tpu.memory_space<semaphore_mem>>)
        %dma_wait3A_219 = arith.constant 0 : i32
        %dma_wait3A_220 = tpu.memref_slice %arg10[%dma_wait3A_219] : memref<10016xi32, #tpu.memory_space<vmem>> -> memref<10000xi32, #tpu.memory_space<vmem>>
        %dma_wait3A_221 = tpu.memref_slice %arg4[%multiple_of3A_160] : memref<10880000xi32, #tpu.memory_space<hbm>> -> memref<10000xi32, #tpu.memory_space<hbm>>
        %dma_wait3A_222 = tpu.memref_slice %arg4[%multiple_of3A_160] : memref<10880000xi32, #tpu.memory_space<hbm>> -> memref<10000xi32, #tpu.memory_space<hbm>>
        %dma_wait3A_223 = arith.constant 0 : i32
        %dma_wait3A_224 = tpu.memref_slice %arg10[%dma_wait3A_223] : memref<10016xi32, #tpu.memory_space<vmem>> -> memref<10000xi32, #tpu.memory_space<vmem>>
        tpu.wait_dma2 semaphore(%run_scoped3A : memref<!tpu.dma_semaphore, #tpu.memory_space<semaphore_mem>>) src(%dma_wait3A_224 : memref<10000xi32, #tpu.memory_space<vmem>>) dst(%dma_wait3A_222 : memref<10000xi32, #tpu.memory_space<hbm>>)
        tpu.yield
      }) : () -> ()
      %add3A_161 = arith.addi %scan3A_112, %and3A_156 : i32
      %add3A_162 = arith.constant 2 : i32
      %add3A_163 = arith.addi %mul3A_114, %add3A_162 : i32
      %mul3A_164 = arith.constant 10000 : i32
      %mul3A_165 = arith.muli %add3A_163, %mul3A_164 : i32
      %multiple_of3A_166 = tpu.assume_multiple %mul3A_165, 8 : i32
      %dma_start3A_167 = arith.constant 0 : i32
      %dma_start3A_168 = tpu.memref_slice %arg2[%multiple_of3A_166] : memref<320000xi32, #tpu.memory_space<hbm>> -> memref<10000xi32, #tpu.memory_space<hbm>>
      %dma_start3A_169 = tpu.memref_slice %arg12[%dma_start3A_167] : memref<4x!tpu.dma_semaphore, #tpu.memory_space<semaphore_mem>> -> memref<1x!tpu.dma_semaphore, #tpu.memory_space<semaphore_mem>>
      %dma_start3A_170 = tpu.memref_squeeze %dma_start3A_169 : memref<1x!tpu.dma_semaphore, #tpu.memory_space<semaphore_mem>> -> memref<!tpu.dma_semaphore, #tpu.memory_space<semaphore_mem>>
      %dma_start3A_171 = tpu.memref_slice %arg2[%multiple_of3A_166] : memref<320000xi32, #tpu.memory_space<hbm>> -> memref<10000xi32, #tpu.memory_space<hbm>>
      tpu.enqueue_dma source(%dma_start3A_171 : memref<10000xi32, #tpu.memory_space<hbm>>) target(%arg6 : memref<10000xi32, #tpu.memory_space<vmem>>) target_semaphore(%dma_start3A_170 : memref<!tpu.dma_semaphore, #tpu.memory_space<semaphore_mem>>)
      %dma_start3A_172 = arith.constant 1 : i32
      %dma_start3A_173 = tpu.memref_slice %arg3[%multiple_of3A_166] : memref<320000xi32, #tpu.memory_space<hbm>> -> memref<10000xi32, #tpu.memory_space<hbm>>
      %dma_start3A_174 = tpu.memref_slice %arg12[%dma_start3A_172] : memref<4x!tpu.dma_semaphore, #tpu.memory_space<semaphore_mem>> -> memref<1x!tpu.dma_semaphore, #tpu.memory_space<semaphore_mem>>
      %dma_start3A_175 = tpu.memref_squeeze %dma_start3A_174 : memref<1x!tpu.dma_semaphore, #tpu.memory_space<semaphore_mem>> -> memref<!tpu.dma_semaphore, #tpu.memory_space<semaphore_mem>>
      %dma_start3A_176 = tpu.memref_slice %arg3[%multiple_of3A_166] : memref<320000xi32, #tpu.memory_space<hbm>> -> memref<10000xi32, #tpu.memory_space<hbm>>
      tpu.enqueue_dma source(%dma_start3A_176 : memref<10000xi32, #tpu.memory_space<hbm>>) target(%arg8 : memref<10000xi32, #tpu.memory_space<vmem>>) target_semaphore(%dma_start3A_175 : memref<!tpu.dma_semaphore, #tpu.memory_space<semaphore_mem>>)
      %add3A_177 = arith.constant 1 : i32
      %add3A_178 = arith.addi %mul3A_114, %add3A_177 : i32
      %mul3A_179 = arith.constant 10000 : i32
      %mul3A_180 = arith.muli %add3A_178, %mul3A_179 : i32
      %multiple_of3A_181 = tpu.assume_multiple %mul3A_180, 8 : i32
      %dma_wait3A_182 = arith.constant 2 : i32
      %dma_wait3A_183 = tpu.memref_slice %arg2[%multiple_of3A_181] : memref<320000xi32, #tpu.memory_space<hbm>> -> memref<10000xi32, #tpu.memory_space<hbm>>
      %dma_wait3A_184 = tpu.memref_slice %arg12[%dma_wait3A_182] : memref<4x!tpu.dma_semaphore, #tpu.memory_space<semaphore_mem>> -> memref<1x!tpu.dma_semaphore, #tpu.memory_space<semaphore_mem>>
      %dma_wait3A_185 = tpu.memref_squeeze %dma_wait3A_184 : memref<1x!tpu.dma_semaphore, #tpu.memory_space<semaphore_mem>> -> memref<!tpu.dma_semaphore, #tpu.memory_space<semaphore_mem>>
      %dma_wait3A_186 = tpu.memref_slice %arg2[%multiple_of3A_181] : memref<320000xi32, #tpu.memory_space<hbm>> -> memref<10000xi32, #tpu.memory_space<hbm>>
      tpu.wait_dma2 semaphore(%dma_wait3A_185 : memref<!tpu.dma_semaphore, #tpu.memory_space<semaphore_mem>>) src(%dma_wait3A_186 : memref<10000xi32, #tpu.memory_space<hbm>>) dst(%arg7 : memref<10000xi32, #tpu.memory_space<vmem>>)
      %dma_wait3A_187 = arith.constant 3 : i32
      %dma_wait3A_188 = tpu.memref_slice %arg3[%multiple_of3A_181] : memref<320000xi32, #tpu.memory_space<hbm>> -> memref<10000xi32, #tpu.memory_space<hbm>>
      %dma_wait3A_189 = tpu.memref_slice %arg12[%dma_wait3A_187] : memref<4x!tpu.dma_semaphore, #tpu.memory_space<semaphore_mem>> -> memref<1x!tpu.dma_semaphore, #tpu.memory_space<semaphore_mem>>
      %dma_wait3A_190 = tpu.memref_squeeze %dma_wait3A_189 : memref<1x!tpu.dma_semaphore, #tpu.memory_space<semaphore_mem>> -> memref<!tpu.dma_semaphore, #tpu.memory_space<semaphore_mem>>
      %dma_wait3A_191 = tpu.memref_slice %arg3[%multiple_of3A_181] : memref<320000xi32, #tpu.memory_space<hbm>> -> memref<10000xi32, #tpu.memory_space<hbm>>
      tpu.wait_dma2 semaphore(%dma_wait3A_190 : memref<!tpu.dma_semaphore, #tpu.memory_space<semaphore_mem>>) src(%dma_wait3A_191 : memref<10000xi32, #tpu.memory_space<hbm>>) dst(%arg9 : memref<10000xi32, #tpu.memory_space<vmem>>)
      %add3A_192 = arith.constant 1 : i32
      %add3A_193 = arith.addi %mul3A_114, %add3A_192 : i32
      %scan3A_194 = arith.constant 0 : i32
      %scan3A_195 = arith.constant 0 : i32
      %scan3A_196 = arith.constant 625 : i32
      %scan3A_197 = arith.addi %scan3A_195, %scan3A_196 : i32
      %scan3A_198 = arith.constant 1 : i32
      %scan3A_199 = scf.for %scan3A_213 = %scan3A_195 to %scan3A_197 step %scan3A_198 iter_args(%scan3A_214 = %scan3A_194) -> (i32)  : i32 {
        %mul3A_215 = arith.constant 16 : i32
        %mul3A_216 = arith.muli %scan3A_213, %mul3A_215 : i32
        %get3A = arith.index_cast %mul3A_216 : i32 to index
        %get3A_217 = tpu.vector_load %arg7[%get3A] {strides = array<i32>} : memref<10000xi32, #tpu.memory_space<vmem>>, vector<16xi32>,
        %mul3A_218 = arith.constant 16 : i32
        %mul3A_219 = arith.muli %scan3A_213, %mul3A_218 : i32
        %get3A_220 = arith.index_cast %mul3A_219 : i32 to index
        %get3A_221 = tpu.vector_load %arg9[%get3A_220] {strides = array<i32>} : memref<10000xi32, #tpu.memory_space<vmem>>, vector<16xi32>,
        %ge3A = arith.cmpi sge, %get3A_217, %broadcast_in_dim3A : vector<16xi32>
        %lt3A = arith.cmpi slt, %get3A_217, %broadcast_in_dim3A_5 : vector<16xi32>
        %and3A_222 = arith.andi %ge3A, %lt3A : vector<16xi1>
        %sub3A = arith.subi %get3A_217, %broadcast_in_dim3A : vector<16xi32>
        %shift_left3A = arith.constant 14 : i32
        %shift_left3A_223 = vector.broadcast %shift_left3A : i32 to vector<16xi32>
        %shift_left3A_224 = arith.shli %sub3A, %shift_left3A_223 : vector<16xi32>
        %or3A_225 = arith.ori %shift_left3A_224, %get3A_221 : vector<16xi32>
        %convert_element_type3A = arith.extui %and3A_222 : vector<16xi1> to vector<16xi32>
        %broadcast_in_dim3A_226 = arith.constant true
        %broadcast_in_dim3A_227 = vector.broadcast %broadcast_in_dim3A_226 : i1 to vector<16xi1>
        %masked_cumsum3A = tpu.scan <sum>, %convert_element_type3A masked %broadcast_in_dim3A_227 : vector<16xi32>, vector<16xi1> -> vector<16xi32>
        %sub3A_228 = arith.constant 1 : i32
        %sub3A_229 = arith.subi %scan3A_214, %sub3A_228 : i32
        %add3A_230 = vector.broadcast %sub3A_229 : i32 to vector<16xi32>
        %add3A_231 = arith.addi %masked_cumsum3A, %add3A_230 : vector<16xi32>
        tpu.vector_store_idx %arg10[%add3A_231], %or3A_225 masked %and3A_222 : memref<10016xi32, #tpu.memory_space<vmem>>[vector<16xi32>], vector<16xi32>, vector<16xi1>
        %all_reduce_population_count3A = tpu.all_reduce %and3A_222 {dim = 0 : i64, kind = #tpu.reduction_kind<sum>} : vector<16xi1> -> vector<16xi32>
        %slice3A = vector.extract_strided_slice %all_reduce_population_count3A {offsets = [0], sizes = [1], strides = [1]} : vector<16xi32> to vector<1xi32>
        %squeeze3A = vector.extract %slice3A[0] : i32 from vector<1xi32>
        %add3A_232 = arith.addi %scan3A_214, %squeeze3A : i32
        scf.yield %add3A_232 : i32
      }
      %scan3A_200 = arith.constant 625 : i32
      %broadcast_in_dim3A_201 = vector.broadcast %or3A_6 : i32 to vector<16xi32>
      %swap3A_202 = arith.index_cast %scan3A_199 : i32 to index
      %swap3A_203 = tpu.vector_load %arg10[%swap3A_202] {strides = array<i32>} : memref<10016xi32, #tpu.memory_space<vmem>>, vector<16xi32>,
      tpu.vector_store %arg10[%swap3A_202], %broadcast_in_dim3A_201 {strides = array<i32>} : memref<10016xi32, #tpu.memory_space<vmem>>, vector<16xi32>,
      %add3A_204 = arith.constant 7 : i32
      %add3A_205 = arith.addi %scan3A_199, %add3A_204 : i32
      %and3A_206 = arith.constant -8 : i32
      %and3A_207 = arith.andi %add3A_205, %and3A_206 : i32
      %mul3A_208 = arith.constant 340000 : i32
      %mul3A_209 = arith.muli %add3A, %mul3A_208 : i32
      %add3A_210 = arith.addi %mul3A_209, %add3A_161 : i32
      %multiple_of3A_211 = tpu.assume_multiple %add3A_210, 8 : i32
      "tpu.region"() ({
        %run_scoped3A = tpu.sem_alloc : memref<!tpu.dma_semaphore, #tpu.memory_space<semaphore_mem>>
        %dma_start3A_213 = arith.constant 0 : i32
        %dma_start3A_214 = tpu.memref_slice %arg10[%dma_start3A_213] : memref<10016xi32, #tpu.memory_space<vmem>> -> memref<10000xi32, #tpu.memory_space<vmem>>
        %dma_start3A_215 = tpu.memref_slice %arg4[%multiple_of3A_211] : memref<10880000xi32, #tpu.memory_space<hbm>> -> memref<10000xi32, #tpu.memory_space<hbm>>
        %dma_start3A_216 = tpu.memref_slice %arg4[%multiple_of3A_211] : memref<10880000xi32, #tpu.memory_space<hbm>> -> memref<10000xi32, #tpu.memory_space<hbm>>
        %dma_start3A_217 = arith.constant 0 : i32
        %dma_start3A_218 = tpu.memref_slice %arg10[%dma_start3A_217] : memref<10016xi32, #tpu.memory_space<vmem>> -> memref<10000xi32, #tpu.memory_space<vmem>>
        tpu.enqueue_dma source(%dma_start3A_218 : memref<10000xi32, #tpu.memory_space<vmem>>) target(%dma_start3A_216 : memref<10000xi32, #tpu.memory_space<hbm>>) target_semaphore(%run_scoped3A : memref<!tpu.dma_semaphore, #tpu.memory_space<semaphore_mem>>)
        %dma_wait3A_219 = arith.constant 0 : i32
        %dma_wait3A_220 = tpu.memref_slice %arg10[%dma_wait3A_219] : memref<10016xi32, #tpu.memory_space<vmem>> -> memref<10000xi32, #tpu.memory_space<vmem>>
        %dma_wait3A_221 = tpu.memref_slice %arg4[%multiple_of3A_211] : memref<10880000xi32, #tpu.memory_space<hbm>> -> memref<10000xi32, #tpu.memory_space<hbm>>
        %dma_wait3A_222 = tpu.memref_slice %arg4[%multiple_of3A_211] : memref<10880000xi32, #tpu.memory_space<hbm>> -> memref<10000xi32, #tpu.memory_space<hbm>>
        %dma_wait3A_223 = arith.constant 0 : i32
        %dma_wait3A_224 = tpu.memref_slice %arg10[%dma_wait3A_223] : memref<10016xi32, #tpu.memory_space<vmem>> -> memref<10000xi32, #tpu.memory_space<vmem>>
        tpu.wait_dma2 semaphore(%run_scoped3A : memref<!tpu.dma_semaphore, #tpu.memory_space<semaphore_mem>>) src(%dma_wait3A_224 : memref<10000xi32, #tpu.memory_space<vmem>>) dst(%dma_wait3A_222 : memref<10000xi32, #tpu.memory_space<hbm>>)
        tpu.yield
      }) : () -> ()
      %add3A_212 = arith.addi %add3A_161, %and3A_207 : i32
      scf.yield %add3A_212 : i32
    }
    %scan3A_29 = arith.constant 15 : i32
    %multiple_of3A_30 = arith.constant 310000 : i32
    %multiple_of3A_31 = tpu.assume_multiple %multiple_of3A_30, 8 : i32
    %dma_start3A_32 = arith.constant 2 : i32
    %dma_start3A_33 = tpu.memref_slice %arg2[%multiple_of3A_31] : memref<320000xi32, #tpu.memory_space<hbm>> -> memref<10000xi32, #tpu.memory_space<hbm>>
    %dma_start3A_34 = tpu.memref_slice %arg12[%dma_start3A_32] : memref<4x!tpu.dma_semaphore, #tpu.memory_space<semaphore_mem>> -> memref<1x!tpu.dma_semaphore, #tpu.memory_space<semaphore_mem>>
    %dma_start3A_35 = tpu.memref_squeeze %dma_start3A_34 : memref<1x!tpu.dma_semaphore, #tpu.memory_space<semaphore_mem>> -> memref<!tpu.dma_semaphore, #tpu.memory_space<semaphore_mem>>
    %dma_start3A_36 = tpu.memref_slice %arg2[%multiple_of3A_31] : memref<320000xi32, #tpu.memory_space<hbm>> -> memref<10000xi32, #tpu.memory_space<hbm>>
    tpu.enqueue_dma source(%dma_start3A_36 : memref<10000xi32, #tpu.memory_space<hbm>>) target(%arg7 : memref<10000xi32, #tpu.memory_space<vmem>>) target_semaphore(%dma_start3A_35 : memref<!tpu.dma_semaphore, #tpu.memory_space<semaphore_mem>>)
    %dma_start3A_37 = arith.constant 3 : i32
    %dma_start3A_38 = tpu.memref_slice %arg3[%multiple_of3A_31] : memref<320000xi32, #tpu.memory_space<hbm>> -> memref<10000xi32, #tpu.memory_space<hbm>>
    %dma_start3A_39 = tpu.memref_slice %arg12[%dma_start3A_37] : memref<4x!tpu.dma_semaphore, #tpu.memory_space<semaphore_mem>> -> memref<1x!tpu.dma_semaphore, #tpu.memory_space<semaphore_mem>>
    %dma_start3A_40 = tpu.memref_squeeze %dma_start3A_39 : memref<1x!tpu.dma_semaphore, #tpu.memory_space<semaphore_mem>> -> memref<!tpu.dma_semaphore, #tpu.memory_space<semaphore_mem>>
    %dma_start3A_41 = tpu.memref_slice %arg3[%multiple_of3A_31] : memref<320000xi32, #tpu.memory_space<hbm>> -> memref<10000xi32, #tpu.memory_space<hbm>>
    tpu.enqueue_dma source(%dma_start3A_41 : memref<10000xi32, #tpu.memory_space<hbm>>) target(%arg9 : memref<10000xi32, #tpu.memory_space<vmem>>) target_semaphore(%dma_start3A_40 : memref<!tpu.dma_semaphore, #tpu.memory_space<semaphore_mem>>)
    %multiple_of3A_42 = arith.constant 300000 : i32
    %multiple_of3A_43 = tpu.assume_multiple %multiple_of3A_42, 8 : i32
    %dma_wait3A = arith.constant 0 : i32
    %dma_wait3A_44 = tpu.memref_slice %arg2[%multiple_of3A_43] : memref<320000xi32, #tpu.memory_space<hbm>> -> memref<10000xi32, #tpu.memory_space<hbm>>
    %dma_wait3A_45 = tpu.memref_slice %arg12[%dma_wait3A] : memref<4x!tpu.dma_semaphore, #tpu.memory_space<semaphore_mem>> -> memref<1x!tpu.dma_semaphore, #tpu.memory_space<semaphore_mem>>
    %dma_wait3A_46 = tpu.memref_squeeze %dma_wait3A_45 : memref<1x!tpu.dma_semaphore, #tpu.memory_space<semaphore_mem>> -> memref<!tpu.dma_semaphore, #tpu.memory_space<semaphore_mem>>
    %dma_wait3A_47 = tpu.memref_slice %arg2[%multiple_of3A_43] : memref<320000xi32, #tpu.memory_space<hbm>> -> memref<10000xi32, #tpu.memory_space<hbm>>
    tpu.wait_dma2 semaphore(%dma_wait3A_46 : memref<!tpu.dma_semaphore, #tpu.memory_space<semaphore_mem>>) src(%dma_wait3A_47 : memref<10000xi32, #tpu.memory_space<hbm>>) dst(%arg6 : memref<10000xi32, #tpu.memory_space<vmem>>)
    %dma_wait3A_48 = arith.constant 1 : i32
    %dma_wait3A_49 = tpu.memref_slice %arg3[%multiple_of3A_43] : memref<320000xi32, #tpu.memory_space<hbm>> -> memref<10000xi32, #tpu.memory_space<hbm>>
    %dma_wait3A_50 = tpu.memref_slice %arg12[%dma_wait3A_48] : memref<4x!tpu.dma_semaphore, #tpu.memory_space<semaphore_mem>> -> memref<1x!tpu.dma_semaphore, #tpu.memory_space<semaphore_mem>>
    %dma_wait3A_51 = tpu.memref_squeeze %dma_wait3A_50 : memref<1x!tpu.dma_semaphore, #tpu.memory_space<semaphore_mem>> -> memref<!tpu.dma_semaphore, #tpu.memory_space<semaphore_mem>>
    %dma_wait3A_52 = tpu.memref_slice %arg3[%multiple_of3A_43] : memref<320000xi32, #tpu.memory_space<hbm>> -> memref<10000xi32, #tpu.memory_space<hbm>>
    tpu.wait_dma2 semaphore(%dma_wait3A_51 : memref<!tpu.dma_semaphore, #tpu.memory_space<semaphore_mem>>) src(%dma_wait3A_52 : memref<10000xi32, #tpu.memory_space<hbm>>) dst(%arg8 : memref<10000xi32, #tpu.memory_space<vmem>>)
    %scan3A_53 = arith.constant 0 : i32
    %scan3A_54 = arith.constant 0 : i32
    %scan3A_55 = arith.constant 625 : i32
    %scan3A_56 = arith.addi %scan3A_54, %scan3A_55 : i32
    %scan3A_57 = arith.constant 1 : i32
    %scan3A_58 = scf.for %scan3A_111 = %scan3A_54 to %scan3A_56 step %scan3A_57 iter_args(%scan3A_112 = %scan3A_53) -> (i32)  : i32 {
      %mul3A_113 = arith.constant 16 : i32
      %mul3A_114 = arith.muli %scan3A_111, %mul3A_113 : i32
      %get3A = arith.index_cast %mul3A_114 : i32 to index
      %get3A_115 = tpu.vector_load %arg6[%get3A] {strides = array<i32>} : memref<10000xi32, #tpu.memory_space<vmem>>, vector<16xi32>,
      %mul3A_116 = arith.constant 16 : i32
      %mul3A_117 = arith.muli %scan3A_111, %mul3A_116 : i32
      %get3A_118 = arith.index_cast %mul3A_117 : i32 to index
      %get3A_119 = tpu.vector_load %arg8[%get3A_118] {strides = array<i32>} : memref<10000xi32, #tpu.memory_space<vmem>>, vector<16xi32>,
      %ge3A = arith.cmpi sge, %get3A_115, %broadcast_in_dim3A : vector<16xi32>
      %lt3A = arith.cmpi slt, %get3A_115, %broadcast_in_dim3A_5 : vector<16xi32>
      %and3A_120 = arith.andi %ge3A, %lt3A : vector<16xi1>
      %sub3A = arith.subi %get3A_115, %broadcast_in_dim3A : vector<16xi32>
      %shift_left3A = arith.constant 14 : i32
      %shift_left3A_121 = vector.broadcast %shift_left3A : i32 to vector<16xi32>
      %shift_left3A_122 = arith.shli %sub3A, %shift_left3A_121 : vector<16xi32>
      %or3A_123 = arith.ori %shift_left3A_122, %get3A_119 : vector<16xi32>
      %convert_element_type3A = arith.extui %and3A_120 : vector<16xi1> to vector<16xi32>
      %broadcast_in_dim3A_124 = arith.constant true
      %broadcast_in_dim3A_125 = vector.broadcast %broadcast_in_dim3A_124 : i1 to vector<16xi1>
      %masked_cumsum3A = tpu.scan <sum>, %convert_element_type3A masked %broadcast_in_dim3A_125 : vector<16xi32>, vector<16xi1> -> vector<16xi32>
      %sub3A_126 = arith.constant 1 : i32
      %sub3A_127 = arith.subi %scan3A_112, %sub3A_126 : i32
      %add3A_128 = vector.broadcast %sub3A_127 : i32 to vector<16xi32>
      %add3A_129 = arith.addi %masked_cumsum3A, %add3A_128 : vector<16xi32>
      tpu.vector_store_idx %arg10[%add3A_129], %or3A_123 masked %and3A_120 : memref<10016xi32, #tpu.memory_space<vmem>>[vector<16xi32>], vector<16xi32>, vector<16xi1>
      %all_reduce_population_count3A = tpu.all_reduce %and3A_120 {dim = 0 : i64, kind = #tpu.reduction_kind<sum>} : vector<16xi1> -> vector<16xi32>
      %slice3A = vector.extract_strided_slice %all_reduce_population_count3A {offsets = [0], sizes = [1], strides = [1]} : vector<16xi32> to vector<1xi32>
      %squeeze3A = vector.extract %slice3A[0] : i32 from vector<1xi32>
      %add3A_130 = arith.addi %scan3A_112, %squeeze3A : i32
      scf.yield %add3A_130 : i32
    }
    %scan3A_59 = arith.constant 625 : i32
    %broadcast_in_dim3A_60 = vector.broadcast %or3A_6 : i32 to vector<16xi32>
    %swap3A = arith.index_cast %scan3A_58 : i32 to index
    %swap3A_61 = tpu.vector_load %arg10[%swap3A] {strides = array<i32>} : memref<10016xi32, #tpu.memory_space<vmem>>, vector<16xi32>,
    tpu.vector_store %arg10[%swap3A], %broadcast_in_dim3A_60 {strides = array<i32>} : memref<10016xi32, #tpu.memory_space<vmem>>, vector<16xi32>,
    %add3A_62 = arith.constant 7 : i32
    %add3A_63 = arith.addi %scan3A_58, %add3A_62 : i32
    %and3A = arith.constant -8 : i32
    %and3A_64 = arith.andi %add3A_63, %and3A : i32
    %mul3A_65 = arith.constant 340000 : i32
    %mul3A_66 = arith.muli %add3A, %mul3A_65 : i32
    %add3A_67 = arith.addi %mul3A_66, %scan3A_28 : i32
    %multiple_of3A_68 = tpu.assume_multiple %add3A_67, 8 : i32
    "tpu.region"() ({
      %run_scoped3A = tpu.sem_alloc : memref<!tpu.dma_semaphore, #tpu.memory_space<semaphore_mem>>
      %dma_start3A_111 = arith.constant 0 : i32
      %dma_start3A_112 = tpu.memref_slice %arg10[%dma_start3A_111] : memref<10016xi32, #tpu.memory_space<vmem>> -> memref<10000xi32, #tpu.memory_space<vmem>>
      %dma_start3A_113 = tpu.memref_slice %arg4[%multiple_of3A_68] : memref<10880000xi32, #tpu.memory_space<hbm>> -> memref<10000xi32, #tpu.memory_space<hbm>>
      %dma_start3A_114 = tpu.memref_slice %arg4[%multiple_of3A_68] : memref<10880000xi32, #tpu.memory_space<hbm>> -> memref<10000xi32, #tpu.memory_space<hbm>>
      %dma_start3A_115 = arith.constant 0 : i32
      %dma_start3A_116 = tpu.memref_slice %arg10[%dma_start3A_115] : memref<10016xi32, #tpu.memory_space<vmem>> -> memref<10000xi32, #tpu.memory_space<vmem>>
      tpu.enqueue_dma source(%dma_start3A_116 : memref<10000xi32, #tpu.memory_space<vmem>>) target(%dma_start3A_114 : memref<10000xi32, #tpu.memory_space<hbm>>) target_semaphore(%run_scoped3A : memref<!tpu.dma_semaphore, #tpu.memory_space<semaphore_mem>>)
      %dma_wait3A_117 = arith.constant 0 : i32
      %dma_wait3A_118 = tpu.memref_slice %arg10[%dma_wait3A_117] : memref<10016xi32, #tpu.memory_space<vmem>> -> memref<10000xi32, #tpu.memory_space<vmem>>
      %dma_wait3A_119 = tpu.memref_slice %arg4[%multiple_of3A_68] : memref<10880000xi32, #tpu.memory_space<hbm>> -> memref<10000xi32, #tpu.memory_space<hbm>>
      %dma_wait3A_120 = tpu.memref_slice %arg4[%multiple_of3A_68] : memref<10880000xi32, #tpu.memory_space<hbm>> -> memref<10000xi32, #tpu.memory_space<hbm>>
      %dma_wait3A_121 = arith.constant 0 : i32
      %dma_wait3A_122 = tpu.memref_slice %arg10[%dma_wait3A_121] : memref<10016xi32, #tpu.memory_space<vmem>> -> memref<10000xi32, #tpu.memory_space<vmem>>
      tpu.wait_dma2 semaphore(%run_scoped3A : memref<!tpu.dma_semaphore, #tpu.memory_space<semaphore_mem>>) src(%dma_wait3A_122 : memref<10000xi32, #tpu.memory_space<vmem>>) dst(%dma_wait3A_120 : memref<10000xi32, #tpu.memory_space<hbm>>)
      tpu.yield
    }) : () -> ()
    %add3A_69 = arith.addi %scan3A_28, %and3A_64 : i32
    %multiple_of3A_70 = arith.constant 310000 : i32
    %multiple_of3A_71 = tpu.assume_multiple %multiple_of3A_70, 8 : i32
    %dma_wait3A_72 = arith.constant 2 : i32
    %dma_wait3A_73 = tpu.memref_slice %arg2[%multiple_of3A_71] : memref<320000xi32, #tpu.memory_space<hbm>> -> memref<10000xi32, #tpu.memory_space<hbm>>
    %dma_wait3A_74 = tpu.memref_slice %arg12[%dma_wait3A_72] : memref<4x!tpu.dma_semaphore, #tpu.memory_space<semaphore_mem>> -> memref<1x!tpu.dma_semaphore, #tpu.memory_space<semaphore_mem>>
    %dma_wait3A_75 = tpu.memref_squeeze %dma_wait3A_74 : memref<1x!tpu.dma_semaphore, #tpu.memory_space<semaphore_mem>> -> memref<!tpu.dma_semaphore, #tpu.memory_space<semaphore_mem>>
    %dma_wait3A_76 = tpu.memref_slice %arg2[%multiple_of3A_71] : memref<320000xi32, #tpu.memory_space<hbm>> -> memref<10000xi32, #tpu.memory_space<hbm>>
    tpu.wait_dma2 semaphore(%dma_wait3A_75 : memref<!tpu.dma_semaphore, #tpu.memory_space<semaphore_mem>>) src(%dma_wait3A_76 : memref<10000xi32, #tpu.memory_space<hbm>>) dst(%arg7 : memref<10000xi32, #tpu.memory_space<vmem>>)
    %dma_wait3A_77 = arith.constant 3 : i32
    %dma_wait3A_78 = tpu.memref_slice %arg3[%multiple_of3A_71] : memref<320000xi32, #tpu.memory_space<hbm>> -> memref<10000xi32, #tpu.memory_space<hbm>>
    %dma_wait3A_79 = tpu.memref_slice %arg12[%dma_wait3A_77] : memref<4x!tpu.dma_semaphore, #tpu.memory_space<semaphore_mem>> -> memref<1x!tpu.dma_semaphore, #tpu.memory_space<semaphore_mem>>
    %dma_wait3A_80 = tpu.memref_squeeze %dma_wait3A_79 : memref<1x!tpu.dma_semaphore, #tpu.memory_space<semaphore_mem>> -> memref<!tpu.dma_semaphore, #tpu.memory_space<semaphore_mem>>
    %dma_wait3A_81 = tpu.memref_slice %arg3[%multiple_of3A_71] : memref<320000xi32, #tpu.memory_space<hbm>> -> memref<10000xi32, #tpu.memory_space<hbm>>
    tpu.wait_dma2 semaphore(%dma_wait3A_80 : memref<!tpu.dma_semaphore, #tpu.memory_space<semaphore_mem>>) src(%dma_wait3A_81 : memref<10000xi32, #tpu.memory_space<hbm>>) dst(%arg9 : memref<10000xi32, #tpu.memory_space<vmem>>)
    %scan3A_82 = arith.constant 0 : i32
    %scan3A_83 = arith.constant 0 : i32
    %scan3A_84 = arith.constant 625 : i32
    %scan3A_85 = arith.addi %scan3A_83, %scan3A_84 : i32
    %scan3A_86 = arith.constant 1 : i32
    %scan3A_87 = scf.for %scan3A_111 = %scan3A_83 to %scan3A_85 step %scan3A_86 iter_args(%scan3A_112 = %scan3A_82) -> (i32)  : i32 {
      %mul3A_113 = arith.constant 16 : i32
      %mul3A_114 = arith.muli %scan3A_111, %mul3A_113 : i32
      %get3A = arith.index_cast %mul3A_114 : i32 to index
      %get3A_115 = tpu.vector_load %arg7[%get3A] {strides = array<i32>} : memref<10000xi32, #tpu.memory_space<vmem>>, vector<16xi32>,
      %mul3A_116 = arith.constant 16 : i32
      %mul3A_117 = arith.muli %scan3A_111, %mul3A_116 : i32
      %get3A_118 = arith.index_cast %mul3A_117 : i32 to index
      %get3A_119 = tpu.vector_load %arg9[%get3A_118] {strides = array<i32>} : memref<10000xi32, #tpu.memory_space<vmem>>, vector<16xi32>,
      %ge3A = arith.cmpi sge, %get3A_115, %broadcast_in_dim3A : vector<16xi32>
      %lt3A = arith.cmpi slt, %get3A_115, %broadcast_in_dim3A_5 : vector<16xi32>
      %and3A_120 = arith.andi %ge3A, %lt3A : vector<16xi1>
      %sub3A = arith.subi %get3A_115, %broadcast_in_dim3A : vector<16xi32>
      %shift_left3A = arith.constant 14 : i32
      %shift_left3A_121 = vector.broadcast %shift_left3A : i32 to vector<16xi32>
      %shift_left3A_122 = arith.shli %sub3A, %shift_left3A_121 : vector<16xi32>
      %or3A_123 = arith.ori %shift_left3A_122, %get3A_119 : vector<16xi32>
      %convert_element_type3A = arith.extui %and3A_120 : vector<16xi1> to vector<16xi32>
      %broadcast_in_dim3A_124 = arith.constant true
      %broadcast_in_dim3A_125 = vector.broadcast %broadcast_in_dim3A_124 : i1 to vector<16xi1>
      %masked_cumsum3A = tpu.scan <sum>, %convert_element_type3A masked %broadcast_in_dim3A_125 : vector<16xi32>, vector<16xi1> -> vector<16xi32>
      %sub3A_126 = arith.constant 1 : i32
      %sub3A_127 = arith.subi %scan3A_112, %sub3A_126 : i32
      %add3A_128 = vector.broadcast %sub3A_127 : i32 to vector<16xi32>
      %add3A_129 = arith.addi %masked_cumsum3A, %add3A_128 : vector<16xi32>
      tpu.vector_store_idx %arg10[%add3A_129], %or3A_123 masked %and3A_120 : memref<10016xi32, #tpu.memory_space<vmem>>[vector<16xi32>], vector<16xi32>, vector<16xi1>
      %all_reduce_population_count3A = tpu.all_reduce %and3A_120 {dim = 0 : i64, kind = #tpu.reduction_kind<sum>} : vector<16xi1> -> vector<16xi32>
      %slice3A = vector.extract_strided_slice %all_reduce_population_count3A {offsets = [0], sizes = [1], strides = [1]} : vector<16xi32> to vector<1xi32>
      %squeeze3A = vector.extract %slice3A[0] : i32 from vector<1xi32>
      %add3A_130 = arith.addi %scan3A_112, %squeeze3A : i32
      scf.yield %add3A_130 : i32
    }
    %scan3A_88 = arith.constant 625 : i32
    %broadcast_in_dim3A_89 = vector.broadcast %or3A_6 : i32 to vector<16xi32>
    %swap3A_90 = arith.index_cast %scan3A_87 : i32 to index
    %swap3A_91 = tpu.vector_load %arg10[%swap3A_90] {strides = array<i32>} : memref<10016xi32, #tpu.memory_space<vmem>>, vector<16xi32>,
    tpu.vector_store %arg10[%swap3A_90], %broadcast_in_dim3A_89 {strides = array<i32>} : memref<10016xi32, #tpu.memory_space<vmem>>, vector<16xi32>,
    %add3A_92 = arith.constant 7 : i32
    %add3A_93 = arith.addi %scan3A_87, %add3A_92 : i32
    %and3A_94 = arith.constant -8 : i32
    %and3A_95 = arith.andi %add3A_93, %and3A_94 : i32
    %mul3A_96 = arith.constant 340000 : i32
    %mul3A_97 = arith.muli %add3A, %mul3A_96 : i32
    %add3A_98 = arith.addi %mul3A_97, %add3A_69 : i32
    %multiple_of3A_99 = tpu.assume_multiple %add3A_98, 8 : i32
    "tpu.region"() ({
      %run_scoped3A = tpu.sem_alloc : memref<!tpu.dma_semaphore, #tpu.memory_space<semaphore_mem>>
      %dma_start3A_111 = arith.constant 0 : i32
      %dma_start3A_112 = tpu.memref_slice %arg10[%dma_start3A_111] : memref<10016xi32, #tpu.memory_space<vmem>> -> memref<10000xi32, #tpu.memory_space<vmem>>
      %dma_start3A_113 = tpu.memref_slice %arg4[%multiple_of3A_99] : memref<10880000xi32, #tpu.memory_space<hbm>> -> memref<10000xi32, #tpu.memory_space<hbm>>
      %dma_start3A_114 = tpu.memref_slice %arg4[%multiple_of3A_99] : memref<10880000xi32, #tpu.memory_space<hbm>> -> memref<10000xi32, #tpu.memory_space<hbm>>
      %dma_start3A_115 = arith.constant 0 : i32
      %dma_start3A_116 = tpu.memref_slice %arg10[%dma_start3A_115] : memref<10016xi32, #tpu.memory_space<vmem>> -> memref<10000xi32, #tpu.memory_space<vmem>>
      tpu.enqueue_dma source(%dma_start3A_116 : memref<10000xi32, #tpu.memory_space<vmem>>) target(%dma_start3A_114 : memref<10000xi32, #tpu.memory_space<hbm>>) target_semaphore(%run_scoped3A : memref<!tpu.dma_semaphore, #tpu.memory_space<semaphore_mem>>)
      %dma_wait3A_117 = arith.constant 0 : i32
      %dma_wait3A_118 = tpu.memref_slice %arg10[%dma_wait3A_117] : memref<10016xi32, #tpu.memory_space<vmem>> -> memref<10000xi32, #tpu.memory_space<vmem>>
      %dma_wait3A_119 = tpu.memref_slice %arg4[%multiple_of3A_99] : memref<10880000xi32, #tpu.memory_space<hbm>> -> memref<10000xi32, #tpu.memory_space<hbm>>
      %dma_wait3A_120 = tpu.memref_slice %arg4[%multiple_of3A_99] : memref<10880000xi32, #tpu.memory_space<hbm>> -> memref<10000xi32, #tpu.memory_space<hbm>>
      %dma_wait3A_121 = arith.constant 0 : i32
      %dma_wait3A_122 = tpu.memref_slice %arg10[%dma_wait3A_121] : memref<10016xi32, #tpu.memory_space<vmem>> -> memref<10000xi32, #tpu.memory_space<vmem>>
      tpu.wait_dma2 semaphore(%run_scoped3A : memref<!tpu.dma_semaphore, #tpu.memory_space<semaphore_mem>>) src(%dma_wait3A_122 : memref<10000xi32, #tpu.memory_space<vmem>>) dst(%dma_wait3A_120 : memref<10000xi32, #tpu.memory_space<hbm>>)
      tpu.yield
    }) : () -> ()
    %add3A_100 = arith.addi %add3A_69, %and3A_95 : i32
    %mul3A_101 = arith.constant 340000 : i32
    %mul3A_102 = arith.muli %add3A, %mul3A_101 : i32
    %add3A_103 = arith.addi %mul3A_102, %add3A_100 : i32
    %multiple_of3A_104 = tpu.assume_multiple %add3A_103, 8 : i32
    "tpu.region"() ({
      %run_scoped3A = tpu.sem_alloc : memref<!tpu.dma_semaphore, #tpu.memory_space<semaphore_mem>>
      %dma_start3A_111 = arith.constant 0 : i32
      %dma_start3A_112 = tpu.memref_slice %arg10[%dma_start3A_111] : memref<10016xi32, #tpu.memory_space<vmem>> -> memref<10000xi32, #tpu.memory_space<vmem>>
      %dma_start3A_113 = tpu.memref_slice %arg4[%multiple_of3A_104] : memref<10880000xi32, #tpu.memory_space<hbm>> -> memref<10000xi32, #tpu.memory_space<hbm>>
      %dma_start3A_114 = tpu.memref_slice %arg4[%multiple_of3A_104] : memref<10880000xi32, #tpu.memory_space<hbm>> -> memref<10000xi32, #tpu.memory_space<hbm>>
      %dma_start3A_115 = arith.constant 0 : i32
      %dma_start3A_116 = tpu.memref_slice %arg10[%dma_start3A_115] : memref<10016xi32, #tpu.memory_space<vmem>> -> memref<10000xi32, #tpu.memory_space<vmem>>
      tpu.enqueue_dma source(%dma_start3A_116 : memref<10000xi32, #tpu.memory_space<vmem>>) target(%dma_start3A_114 : memref<10000xi32, #tpu.memory_space<hbm>>) target_semaphore(%run_scoped3A : memref<!tpu.dma_semaphore, #tpu.memory_space<semaphore_mem>>)
      %dma_wait3A_117 = arith.constant 0 : i32
      %dma_wait3A_118 = tpu.memref_slice %arg10[%dma_wait3A_117] : memref<10016xi32, #tpu.memory_space<vmem>> -> memref<10000xi32, #tpu.memory_space<vmem>>
      %dma_wait3A_119 = tpu.memref_slice %arg4[%multiple_of3A_104] : memref<10880000xi32, #tpu.memory_space<hbm>> -> memref<10000xi32, #tpu.memory_space<hbm>>
      %dma_wait3A_120 = tpu.memref_slice %arg4[%multiple_of3A_104] : memref<10880000xi32, #tpu.memory_space<hbm>> -> memref<10000xi32, #tpu.memory_space<hbm>>
      %dma_wait3A_121 = arith.constant 0 : i32
      %dma_wait3A_122 = tpu.memref_slice %arg10[%dma_wait3A_121] : memref<10016xi32, #tpu.memory_space<vmem>> -> memref<10000xi32, #tpu.memory_space<vmem>>
      tpu.wait_dma2 semaphore(%run_scoped3A : memref<!tpu.dma_semaphore, #tpu.memory_space<semaphore_mem>>) src(%dma_wait3A_122 : memref<10000xi32, #tpu.memory_space<vmem>>) dst(%dma_wait3A_120 : memref<10000xi32, #tpu.memory_space<hbm>>)
      tpu.yield
    }) : () -> ()
    %broadcast_in_dim3A_105 = vector.broadcast %add3A_100 : i32 to vector<16xi32>
    %swap3A_106 = arith.constant 0 : index
    %swap3A_107 = tpu.vector_load %arg11[%swap3A_106] {strides = array<i32>} : memref<16xi32, #tpu.memory_space<vmem>>, vector<16xi32>,
    tpu.vector_store %arg11[%swap3A_106], %broadcast_in_dim3A_105 {strides = array<i32>} : memref<16xi32, #tpu.memory_space<vmem>>, vector<16xi32>,
    %mul3A_108 = arith.constant 16 : i32
    %mul3A_109 = arith.muli %add3A, %mul3A_108 : i32
    %multiple_of3A_110 = tpu.assume_multiple %mul3A_109, 8 : i32
    "tpu.region"() ({
      %run_scoped3A = tpu.sem_alloc : memref<!tpu.dma_semaphore, #tpu.memory_space<semaphore_mem>>
      %dma_start3A_111 = tpu.memref_slice %arg5[%multiple_of3A_110] : memref<512xi32, #tpu.memory_space<hbm>> -> memref<16xi32, #tpu.memory_space<hbm>>
      %dma_start3A_112 = tpu.memref_slice %arg5[%multiple_of3A_110] : memref<512xi32, #tpu.memory_space<hbm>> -> memref<16xi32, #tpu.memory_space<hbm>>
      tpu.enqueue_dma source(%arg11 : memref<16xi32, #tpu.memory_space<vmem>>) target(%dma_start3A_112 : memref<16xi32, #tpu.memory_space<hbm>>) target_semaphore(%run_scoped3A : memref<!tpu.dma_semaphore, #tpu.memory_space<semaphore_mem>>)
      %dma_wait3A_113 = tpu.memref_slice %arg5[%multiple_of3A_110] : memref<512xi32, #tpu.memory_space<hbm>> -> memref<16xi32, #tpu.memory_space<hbm>>
      %dma_wait3A_114 = tpu.memref_slice %arg5[%multiple_of3A_110] : memref<512xi32, #tpu.memory_space<hbm>> -> memref<16xi32, #tpu.memory_space<hbm>>
      tpu.wait_dma2 semaphore(%run_scoped3A : memref<!tpu.dma_semaphore, #tpu.memory_space<semaphore_mem>>) src(%arg11 : memref<16xi32, #tpu.memory_space<vmem>>) dst(%dma_wait3A_114 : memref<16xi32, #tpu.memory_space<hbm>>)
      tpu.yield
    }) : () -> ()
    return
  }
}

</mosaic_0001>

<sc_bundles>
// kernel: _bucket.3.cloned.1.call-start
scs
__scs_entry_jumppad:
0x0: {  	(pc) =	sbr.rel $0x88, $3  }
0x1: {  	(tag) =	ssettag $0x0;
	lr =	simm.s32 $0x1  }
0x2: {  	[smem:$0x3F9F] =	sst lr;
	_ =	strace $0xD0000000  }
0x3: {  	_ = 	snop  }
0x4: {  	_ = 	snop  }
0x5: {  	_ = 	snop  }
0x6: {  	_ = 	snop  }
0x7: {  	_ = 	snop  }
__scs_overlays_trampoline_lowered:
0x8: {  	[smem:$0x3FAE] =	sst s0  }
0x9: {  	[smem:$0x3FAF] =	sst s1  }
0xa: {  	[smem:$0x3FB0] =	sst s2  }
0xb: {  	[smem:$0x3FB1] =	sst s3  }
0xc: {  	[smem:$0x3FB2] =	sst s4  }
0xd: {  	[smem:$0x3FB3] =	sst s5  }
0xe: {  	[smem:$0x3FB4] =	sst s6  }
0xf: {  	[smem:$0x3FB5] =	sst s7  }
0x10: {  	[smem:$0x3FB6] =	sst s8  }
0x11: {  	[smem:$0x3FB7] =	sst s9;
	s0 =	simm.s32 @!p0 $0x0  }
0x12: {  	s1 =	sld [smem:$0x3F9D];
	s0 =	simm.s32 @p0 $0x1  }
0x13: {  	[smem:$0x3FB8] =	sst s0;
	s0 =	simm.s32 @!p1 $0x0  }
0x14: {  	s2 =	sld [smem:$0x3F9C];
	s0 =	simm.s32 @p1 $0x1  }
0x15: {  	[smem:$0x3FB9] =	sst s0;
	s0 =	simm.s32 @!p2 $0x0  }
0x16: {  	s3 =	sld [smem:$0x3FDB];
	s0 =	simm.s32 @p2 $0x1  }
0x17: {  	s4 =	simm.s32 $0x1BF5;
	[smem:$0x3FBB] =	sst s0  }
0x18: {  	s0 =	sld [smem:$0x3F9E];
	_ =	swait.ge [sflag:s4], $0x0  }
0x19: {  	s7 =	sld [smem:$0x3F9F]  }
0x1a: {  	s8 =	sadd.s32 $0xFFFFE003, lr  }
0x1b: {  	s9 =	sadd.s32 $0xFFFFFEF7, lr;
	s5 =	simm.s32 $0xFFFFFFFF;
	p2 =	slt.u32 s8, $0xFFFFF086  }
0x1c: {  	p1 =	slt.u32 s9, $0xF7A;
	s5 =	simm.s32 @!p2 $0x0  }
0x1d: {  	s5 =	simm.s32 @p1 $0x1;
	p0 =	seq.s32 s7, s2  }
0x1e: {  	s7 =	smul.u32 @!p0 $0xF7A, s2;
	p2 =	seq.s32 @!p0 s5, $0x0  }
0x1f: {  	s9 =	smul.u32 $0xF7A, s1;
	s8 =	simm.s32 @!p0 $0x1BF5;
	p2 =	por !p2, p0  }
0x20: {  	[sflag:s8] =	ssyncset.s32 @!p0 $0xFFFFF086;
	s6 =	sadd.s32 @!p0 s3, s7;
	s7 =	simm.s32 @!p0 $0x108  }
0x21: {  	s3 =	sadd.s32 s3, s9;
	s6 =	sadd.s32 @!p0 $0x88, s6;
	s7 =	simm.s32 @p2 $0x1082  }
0x22: {  	[simem:s7], [sflag:s8] =	dma.local @!p0 [hbm:s6], $0xF7A  }
0x23: {  	s9 =	sor.u32 $0xD0000000, s2;
	s6 =	simm.s32 $0x108;
	_ =	swait.ge @!p0 [sflag:s8], $0x0  }
0x24: {  	s3 =	sadd.s32 $0x88, s3;
	s6 =	simm.s32 @!p1 $0x1082;
	[sflag:s4] =	ssyncset.s32 $0xFFFFF086  }
0x25: {  	[simem:s6], [sflag:s4] =	dma.local [hbm:s3], $0xF7A  }
0x26: {  	[smem:$0x3F9F] =	sst s1;
	(tag) =	ssettag s2;
	_ =	strace s9  }
0x27: {  	s1 =	sld [smem:$0x3FAF]  }
0x28: {  	s2 =	sld [smem:$0x3FB0]  }
0x29: {  	s4 =	sld [smem:$0x3FB2]  }
0x2a: {  	p0 =	seq.s32 s5, $0x0;
	s5 =	sld [smem:$0x3FB3]  }
0x2b: {  	s6 =	sld [smem:$0x3FB4]  }
0x2c: {  	s7 =	sld [smem:$0x3FB5]  }
0x2d: {  	s3 =	simm.s32 $0x108;
	s8 =	sld [smem:$0x3FB6]  }
0x2e: {  	s3 =	simm.s32 @!p0 $0x1082;
	s9 =	sld [smem:$0x3FB7]  }
0x2f: {  	lr =	sadd.s32 s0, s3;
	s0 =	sld [smem:$0x3FAE]  }
0x30: {  	s3 =	sld [smem:$0x3FB1]  }
0x31: {  	[smem:$0x3FBA] =	sst s10  }
0x32: {  	s10 =	sld [smem:$0x3FB8];
	_ =	sdelay $0x3  }
0x33: {  	p0 =	seq.s32 s10, $0x1;
	s10 =	sld [smem:$0x3FBA];
	_ =	sdelay $0x3  }
0x34: {  	[smem:$0x3FBA] =	sst s10  }
0x35: {  	s10 =	sld [smem:$0x3FB9];
	_ =	sdelay $0x3  }
0x36: {  	p1 =	seq.s32 s10, $0x1;
	s10 =	sld [smem:$0x3FBA];
	_ =	sdelay $0x3  }
0x37: {  	[smem:$0x3FBA] =	sst s10  }
0x38: {  	s10 =	sld [smem:$0x3FBB]  }
0x39: {  	_ = 	snop;
	(pc) =	sbr.ind lr, $3  }
0x3a: {  	_ = 	snop  }
0x3b: {  	_ = 	snop  }
0x3c: {  	p2 =	seq.s32 s10, $0x1;
	s10 =	sld [smem:$0x3FBA]  }
0x3d: {  	_ =	shalt  }
0x3e: {  	_ =	shalt  }
0x3f: {  	_ =	shalt  }
0x40: {  	_ =	shalt  }
0x41: {  	_ =	shalt  }
0x42: {  	_ =	shalt  }
0x43: {  	_ =	shalt  }
0x44: {  	_ =	shalt  }
0x45: {  	_ =	shalt  }
0x46: {  	_ =	shalt  }
0x47: {  	_ =	shalt  }
0x48: {  	_ =	shalt  }
0x49: {  	_ =	shalt  }
0x4a: {  	_ =	shalt  }
0x4b: {  	_ =	shalt  }
0x4c: {  	_ =	shalt  }
0x4d: {  	_ =	shalt  }
0x4e: {  	_ =	shalt  }
0x4f: {  	_ =	shalt  }
0x50: {  	_ =	shalt  }
0x51: {  	_ =	shalt  }
0x52: {  	_ =	shalt  }
0x53: {  	_ =	shalt  }
0x54: {  	_ =	shalt  }
0x55: {  	_ =	shalt  }
0x56: {  	_ =	shalt  }
0x57: {  	_ =	shalt  }
0x58: {  	_ =	shalt  }
0x59: {  	_ =	shalt  }
0x5a: {  	_ =	shalt  }
0x5b: {  	_ =	shalt  }
0x5c: {  	_ =	shalt  }
0x5d: {  	_ =	shalt  }
0x5e: {  	_ =	shalt  }
0x5f: {  	_ =	shalt  }
0x60: {  	_ =	shalt  }
0x61: {  	_ =	shalt  }
0x62: {  	_ =	shalt  }
0x63: {  	_ =	shalt  }
0x64: {  	_ =	shalt  }
0x65: {  	_ =	shalt  }
0x66: {  	_ =	shalt  }
0x67: {  	_ =	shalt  }
0x68: {  	_ =	shalt  }
0x69: {  	_ =	shalt  }
0x6a: {  	_ =	shalt  }
0x6b: {  	_ =	shalt  }
0x6c: {  	_ =	shalt  }
0x6d: {  	_ =	shalt  }
0x6e: {  	_ =	shalt  }
0x6f: {  	_ =	shalt  }
0x70: {  	_ =	shalt  }
0x71: {  	_ =	shalt  }
0x72: {  	_ =	shalt  }
0x73: {  	_ =	shalt  }
0x74: {  	_ =	shalt  }
0x75: {  	_ =	shalt  }
0x76: {  	_ =	shalt  }
0x77: {  	_ =	shalt  }
0x78: {  	_ =	shalt  }
0x79: {  	_ =	shalt  }
0x7a: {  	_ =	shalt  }
0x7b: {  	_ =	shalt  }
0x7c: {  	_ =	shalt  }
0x7d: {  	_ =	shalt  }
0x7e: {  	_ =	shalt  }
0x7f: {  	_ =	shalt  }
0x80: {  	_ =	shalt  }
0x81: {  	_ =	shalt  }
0x82: {  	_ =	shalt  }
0x83: {  	_ =	shalt  }
0x84: {  	_ =	shalt  }
0x85: {  	_ =	shalt  }
0x86: {  	_ =	shalt  }
0x87: {  	_ =	shalt  }
.Lfunc_end0:
.L_simem_size_0:
called_computation_lowered:
.L_overlay_start_0:
0x88: {  	s2 =	sld [smem:$0x3FD9]  }
0x89: {  	s3 =	sld [smem:$0x3FFE];
	_ =	sdelay $0x1  }
0x8a: {  	s1 =	srdreg.scid  }
0x8b: {  	s0 =	sand.u32 $0x1, s1  }
0x8c: {  	s15 =	sshll.u32 s0, $0xA;
	s2 =	sadd.s32 s3, s2  }
0x8d: {  	s2 =	sadd.s32 s2, s15  }
0x8e: {  	[smem:$0x3FC6] =	sst s2  }
0x8f: {  	_ = 	snop  }
0x90: {  	s2 =	sld [smem:$0x3FD0];
	_ =	sdelay $0x1  }
0x91: {  	s16 =	sld [smem:$0x3FC9]  }
0x92: {  	s5 =	simm.s32 $0xA;
	s6 =	simm.s32 $0x10;
	s4 =	sld [smem:$0x3FC8]  }
0x93: {  	[smem:s6], [sflag:s5] =	dma.local [hbm:s2], $0x1  }
0x94: {  	_ =	swait.eq [sflag:s5], $0x1  }
0x95: {  	[sflag:s5] =	ssyncset.done $0x0  }
0x96: {  	s17 =	sld [smem:$0x10];
	[sflag:s5] =	ssyncadd.s32 $0xFFFFFFFF  }
0x97: {  	s18 =	sld [smem:$0x11];
	(tm) =	ssettm $0x1  }
0x98: {  	s19 =	sld [smem:$0x3FFB];
	_ =	sdelay $0x3  }
0x99: {  	_ =	strace s19  }
0x9a: {  	s6 =	sld [smem:$0x3FFC];
	_ =	sdelay $0x3  }
0x9b: {  	_ =	strace s6  }
0x9c: {  	s6 =	sld [smem:$0x3FFD];
	_ =	sdelay $0x3  }
0x9d: {  	_ =	strace s6  }
0x9e: {  	_ =	strace $0x8FFFFFFF  }
0x9f: {  	s20 =	sld [smem:$0x3FDB];
	_ =	sdelay $0x1  }
0xa0: {  	s7 =	simm.s32 $_scs_section_size  }
0xa1: {  	s8 =	simm.s32 $_size__tile_overlayer_lowered;
	s9 =	simm.s32 $_tile_overlayer_lowered  }
0xa2: {  	s23 =	simm.s32 $0x1BFF;
	s22 =	sshll.u32 s9, $0x1;
	s6 =	sadd.s32 s7, s20  }
0xa3: {  	s10 =	simm.s32 $0x0;
	s21 =	sshll.u32 s8, $0x1;
	s8 =	sadd.s32 s22, s6  }
0xa4: {  	[timem:s10], [sflag:s23] =	dma.local [hbm:s8], s21  }
0xa5: {  	_ =	swait.ge [sflag:s23], s21  }
0xa6: {  	s7 =	ssub.s32 $0x0, s21;
	[sflag:s23] =	ssyncset.done $0x0  }
0xa7: {  	[sflag:s23] =	ssyncadd.s32 s7;
	_ =	sdelay $0x1  }
0xa8: {  	s24 =	simm.s32 $0x1B8B  }
0xa9: {  	_ =	swait.ge [sflag:s24], $0x1  }
0xaa: {  	[sflag:s24] =	ssyncset.done $0x0  }
0xab: {  	s25 =	simm.s32 $0x1B8E;
	[sflag:s24] =	ssyncadd.s32 $0xFFFFFFFF  }
0xac: {  	s26 =	simm.s32 $execute0_lowered;
	[smem:$0x3FD2] =	sst s25  }
0xad: {  	s7 =	sshll.u32 s26, $0x1;
	_ =	strace $0x80000046;
	[dreg:$0x1] =	wrdreg $0xFFFFFFFF  }
0xae: {  	s28 =	simm.s32 $_size_execute0_lowered;
	s6 =	sadd.s32 s6, s7;
	[dreg:$0x0] =	wrdreg $0x0  }
0xaf: {  	s7 =	sshll.u32 s28, $0x1;
	[dreg:$0x2] =	wrdreg s6  }
0xb0: {  	[dreg:$0x3] =	wrdreg s7  }
0xb1: {  	[dreg:$0x4] =	wrdreg $0xC0  }
0xb2: {  	_ =	task [dreg:s10], $0x5FFFF  }
0xb3: {  	[dreg:$0x1] =	wrdreg $0xFFFFFFFF  }
0xb4: {  	[dreg:$0x0] =	wrdreg $0x60  }
0xb5: {  	[dreg:$0x2] =	wrdreg s16  }
0xb6: {  	[dreg:$0x3] =	wrdreg s4  }
0xb7: {  	[dreg:$0x4] =	wrdreg s17  }
0xb8: {  	[dreg:$0x5] =	wrdreg s18  }
0xb9: {  	[dreg:$0x6] =	wrdreg $0x9  }
0xba: {  	_ =	task.clear_ibuf [dreg:s10], $0x7FFFF;
	_ =	strace $0x90000046  }
0xbb: {  	s29 =	simm.s32 $0x9;
	_ =	strace $0x80000048  }
0xbc: {  	_ =	swait.ge [sflag:s29], $0x1  }
0xbd: {  	[sflag:s29] =	ssyncadd.s32 $0xFFFFFFFF  }
0xbe: {  	_ =	strace $0x90000048  }
0xbf: {  	_ =	sfence  }
0xc0: {  	s30 =	sld [smem:$0x0];
	_ =	sdelay $0x2  }
0xc1: {  	s31 =	sshll.u32 s1, $0xD;
	s1 =	sshrl.u32 s1, $0x2  }
0xc2: {  	s3 =	sand.u32 $0x4000, s31;
	s1 =	sadd.s32 s1, s30  }
0xc3: {  	s0 =	sor.u32 s3, s0;
	s1 =	sshll.u32 s1, $0x11  }
0xc4: {  	s0 =	sor.u32 s1, s0  }
0xc5: {  	s0 =	sadd.s32 $0x8F2B, s0  }
0xc6: {  	[sflag:s0] =	ssyncadd.remote.s32 $0x1  }
0xc7: {  	_ =	sfence.sel $0xFFFF  }
0xc8: {  	[dreg:$0x0] =	wrdreg $0xFFFFFFFF;
	(pc) =	sbr.abs _section_cstart, $3  }
0xc9: {  	[dreg:$0x1] =	wrdreg $0xFFFFFFFF  }
0xca: {  	_ =	task.clear_ibuf [dreg:s10], $0x2FFFF;
	_ =	strace $0x9FFFFFFF  }
0xcb: {  	(tm) =	ssettm $0x7FFFFFFF  }
tec
execute0_lowered:
.L_overlay_start_1:
0x0: {  	(tag) =	ssettag $0x1  }
0x1: {  	s1 =	rddreg [dreg:$0x0]  }
0x2: {  	s2 =	rddreg [dreg:$0x1]  }
0x3: {  	s4 =	rddreg [dreg:$0x2];
	s3 =	srdreg.scid  }
0x4: {  	s0 =	stileid.u32;
	s9 =	rddreg [dreg:$0x3]  }
0x5: {  	s12 =	simm.s32 $0x2780;
	s13 =	simm.s32 $0x7680;
	s14 =	simm.s32 $0x1  }
0x6: {  	s15 =	simm.s32 $0x2;
	s17 =	simm.s32 $0x5;
	s18 =	simm.s32 $0x3  }
0x7: {  	s21 =	simm.s32 $0x0;
	s6 =	sand.u32 $0x1, s3;
	s5 =	sshll.u32 s0, $0x1  }
0x8: {  	s3 =	rddreg [dreg:$0x4];
	s7 =	sor.u32 s6, s5;
	s5 =	simm.s32 $0x0  }
0x9: {  	s6 =	ssub.s32 $0x2, s6;
	s16 =	smul.u32 $0x139, s7;
	[smem:$0x7FF] =	sst s5  }
0xa: {  	s8 =	sshrl.u32 s6, $0x1;
	s11 =	sshll.u32 s7, $0x1;
	_ =	strace $0x80000047  }
0xb: {  	s10 =	ssub.s32 s6, s8;
	s6 =	smul.u32 $0x53020, s7;
	s7 =	sadd.s32 $0x975E, s1  }
0xc: {  	s8 =	sadd.s32 $0x975E, s2;
	s9 =	sadd.s32 s9, s11;
	s11 =	simm.s32 $0x4F00  }
0xd: {  	v3 =	vimm.s32 $0x0;
	s19 =	sadd.s32 $0x139, s16;
	s20 =	sor.u32 $0x4E4000, s16;
	s10 =	smax.u32 s10, $0x1  }
0xe: {  	v0 =	vmov s16;
	s16 =	simm.s32 $0x9E00;
	v1 =	vmov s19;
	v2 =	vmov s20;
	s19 =	simm.s32 $0x4;
	s20 =	simm.s32 $0xC580  }
.LBB2_1:
0xf: {  	s22 =	simm.s32 $0x40;
	s23 =	simm.s32 $0x0  }
.LBB2_2:
0x10: {  	p0 =	sne.s32 s22, $0x9C40;
	[tilespmem:s23+$0x9E00] =	vst v2;
	s23 =	smov.u32 s22;
	s22 =	sadd.s32 $0x40, s22  }
.Ltmp0:
0x11: {  	(pc) =	sbr.rel @p0 .LBB2_2-.Ltmp0, $2  }
0x12: {  	_ =	sdelay $0x2  }
0x13: {  	s23 =	sshra.s32 s23, $0x2  }
0x14: {  	[tilespmem:s23+$0x9E00] =	vst v2;
	s23 =	simm.s32 $0x0  }
0x15: {  	[tilespmem:s23], [sflag:$0x1] =	stream.linear.gather [hbm4b:s1+s23], $0x2710, $0x38;
	[tilespmem:$0xC600] =	vst v63  }
0x16: {  	s22 =	simm.s32 $0x0;
	s24 =	simm.s32 $0x0  }
0x17: {  	[tilespmem:s11], [sflag:$0x2] =	stream.linear.gather [hbm4b:s2+s23], $0x2710, $0x38;
	[tilespmem:$0xC600] =	vst v63  }
.LBB2_4:
0x18: {  	s25 =	smul.u32 $0x4E20, s24;
	_ =	sdelay $0x1  }
0x19: {  	s25 =	sshrl.u32 s25, $0x3  }
0x1a: {  	s26 =	sadd.s32 $0x4E2, s25  }
0x1b: {  	s28 =	sadd.s32 s1, s26  }
0x1c: {  	[tilespmem:s12], [sflag:$0x3] =	stream.linear.gather [hbm4b:s28+s23], $0x2710, $0x38;
	[tilespmem:$0xC600] =	vst v63  }
0x1d: {  	s26 =	sadd.s32 s2, s26  }
0x1e: {  	[tilespmem:s13], [sflag:$0x4] =	stream.linear.gather [hbm4b:s26+s23], $0x2710, $0x38;
	[tilespmem:$0xC600] =	vst v63  }
0x1f: {  	_ =	swait.ge [sflag:s14], $0x2710  }
0x20: {  	[sflag:s14] =	ssyncset.done $0x0  }
0x21: {  	[sflag:s14] =	ssyncadd.s32 $0xFFFFD8F0  }
0x22: {  	_ =	swait.ge [sflag:s15], $0x2710  }
0x23: {  	[sflag:s15] =	ssyncset.done $0x0  }
0x24: {  	s31 =	simm.s32 $0x0;
	[sflag:s15] =	ssyncadd.s32 $0xFFFFD8F0  }
0x25: {  	v4 =	vld [tilespmem:s31+$0x0];
	_ =	sdelay $0x4  }
0x26: {  	vm0 =	vge.s32 v4, v0;
	vm1 =	vlt.s32 v4, v1  }
0x27: {  	vm0 =	vmand vm0, vm1  }
0x28: {  	v5 =	vsel vm0, $0x1, v3  }
0x29: {  	(xrf0) =	vadd.scan.msk.s32 $0xffff, v5;
	v5 =	vmpcnt.ones.xlane vm0;
	_ =	sdelay $0x1  }
0x2a: {  	(v2sf) =	vpush v5, $0x0;
	_ =	sdelay $0x4  }
0x2b: {  	s30 =	simm.s32 $0xFFFFFFFF;
	v5 =	vld [tilespmem:s31+$0x4F00];
	v6, _, _ =	vpop (xrf0)  }
0x2c: {  	s29 =	simm.s32 $0x80;
	s28 =	simm.s32 $0x40;
	s26 =	simm.s32 $0x0;
	v6 =	vadd.s32 s30, v6  }
.LBB2_5:
0x2d: {  	p0 =	sne.s32 s29, $0x9C00  }
0x2e: {  	v4 =	vsub.s32 v4, v0  }
0x2f: {  	v4 =	vshll.u32 v4, $0xE  }
0x30: {  	v4 =	vor.u32 v5, v4  }
0x31: {  	s30 =	sshra.s32 s28, $0x2;
	s28 =	smov.u32 s29;
	[tilespmem:v6+s16+$0x0] =	vst.idx.msk vm0, v4  }
0x32: {  	v4 =	vld [tilespmem:s30+$0x0];
	_ =	sdelay $0x2  }
0x33: {  	s31 =	spop (v2sf)  }
0x34: {  	s26 =	sadd.s32 s26, s31  }
0x35: {  	vm0 =	vge.s32 v4, v0;
	vm1 =	vlt.s32 v4, v1  }
0x36: {  	vm0 =	vmand vm0, vm1  }
0x37: {  	v5 =	vsel vm0, $0x1, v3;
	v6 =	vmpcnt.ones.xlane vm0  }
0x38: {  	(xrf0) =	vadd.scan.msk.s32 $0xffff, v5  }
0x39: {  	(v2sf) =	vpush v6, $0x0;
	_ =	sdelay $0x1  }
.Ltmp1:
0x3a: {  	(pc) =	sbr.rel @p0 .LBB2_5-.Ltmp1, $3  }
0x3b: {  	_ =	sdelay $0x1  }
0x3c: {  	v5 =	vld [tilespmem:s30+$0x4F00];
	s30 =	sadd.s32 $0xFFFFFFFF, s26;
	v6, _, _ =	vpop (xrf0)  }
0x3d: {  	s29 =	sadd.s32 $0x40, s29;
	v6 =	vadd.s32 s30, v6  }
0x3e: {  	_ =	sdelay $0x1  }
0x3f: {  	v4 =	vsub.s32 v4, v0  }
0x40: {  	v4 =	vshll.u32 v4, $0xE  }
0x41: {  	v4 =	vor.u32 v5, v4  }
0x42: {  	s28 =	sshra.s32 s28, $0x2;
	[tilespmem:v6+s16+$0x0] =	vst.idx.msk vm0, v4  }
0x43: {  	v4 =	vld [tilespmem:s28+$0x0];
	_ =	sdelay $0x4  }
0x44: {  	vm0 =	vge.s32 v4, v0;
	vm1 =	vlt.s32 v4, v1  }
0x45: {  	vm0 =	vmand vm0, vm1  }
0x46: {  	v5 =	vmpcnt.ones.xlane vm0;
	_ =	sdelay $0x1  }
0x47: {  	(v2sf) =	vpush v5, $0x0;
	_ =	sdelay $0x2  }
0x48: {  	v5 =	vsel vm0, $0x1, v3  }
0x49: {  	(xrf0) =	vadd.scan.msk.s32 $0xffff, v5;
	_ =	sdelay $0x3  }
0x4a: {  	s29 =	spop (v2sf)  }
0x4b: {  	s26 =	sadd.s32 s26, s29  }
0x4c: {  	v5 =	vld [tilespmem:s28+$0x4F00];
	s28 =	sadd.s32 $0xFFFFFFFF, s26;
	v6, _, _ =	vpop (xrf0)  }
0x4d: {  	v6 =	vadd.s32 s28, v6;
	_ =	sdelay $0x1  }
0x4e: {  	v4 =	vsub.s32 v4, v0  }
0x4f: {  	v4 =	vshll.u32 v4, $0xE  }
0x50: {  	s29 =	sadd.s32 s6, s22;
	v4 =	vor.u32 v5, v4;
	s28 =	spop (v2sf)  }
0x51: {  	[tilespmem:v6+s16+$0x0] =	vst.idx.msk vm0, v4;
	s26 =	sadd.s32 s26, s28;
	s28 =	sshrl.u32 s29, $0x3  }
0x52: {  	[tilespmem:s26+$0x9E00] =	vst v2;
	s29 =	sadd.s32 s4, s28;
	s28 =	simm.s32 $0x0  }
0x53: {  	[hbm4b:s29+s28] =	stream.linear.scatter [tilespmem:s16], [sflag:$0x5], $0x2710, $0x38;
	[tilespmem:$0xC600] =	vst v63  }
0x54: {  	_ =	swait.ge [sflag:s17], $0x2710  }
0x55: {  	s25 =	sadd.s32 $0x9C4, s25;
	[sflag:s17] =	ssyncset.done $0x0  }
0x56: {  	s29 =	sadd.s32 s1, s25;
	[sflag:s17] =	ssyncadd.s32 $0xFFFFD8F0  }
0x57: {  	[tilespmem:s28], [sflag:$0x1] =	stream.linear.gather [hbm4b:s29+s28], $0x2710, $0x38;
	[tilespmem:$0xC600] =	vst v63  }
0x58: {  	s25 =	sadd.s32 s2, s25  }
0x59: {  	[tilespmem:s11], [sflag:$0x2] =	stream.linear.gather [hbm4b:s25+s28], $0x2710, $0x38;
	[tilespmem:$0xC600] =	vst v63  }
0x5a: {  	_ =	swait.ge [sflag:s18], $0x2710  }
0x5b: {  	[sflag:s18] =	ssyncset.done $0x0  }
0x5c: {  	[sflag:s18] =	ssyncadd.s32 $0xFFFFD8F0  }
0x5d: {  	_ =	swait.ge [sflag:s19], $0x2710  }
0x5e: {  	[sflag:s19] =	ssyncset.done $0x0  }
0x5f: {  	s29 =	simm.s32 $0x0;
	[sflag:s19] =	ssyncadd.s32 $0xFFFFD8F0  }
0x60: {  	v4 =	vld [tilespmem:s29+$0x2780];
	_ =	sdelay $0x4  }
0x61: {  	vm0 =	vge.s32 v4, v0;
	vm1 =	vlt.s32 v4, v1  }
0x62: {  	vm0 =	vmand vm0, vm1  }
0x63: {  	v5 =	vsel vm0, $0x1, v3  }
0x64: {  	(xrf0) =	vadd.scan.msk.s32 $0xffff, v5;
	v5 =	vmpcnt.ones.xlane vm0;
	_ =	sdelay $0x1  }
0x65: {  	(v2sf) =	vpush v5, $0x0;
	_ =	sdelay $0x4  }
0x66: {  	s30 =	simm.s32 $0xFFFFFFFF;
	v5 =	vld [tilespmem:s29+$0x7680];
	v6, _, _ =	vpop (xrf0)  }
0x67: {  	s25 =	simm.s32 $0x40;
	s29 =	simm.s32 $0x80;
	v6 =	vadd.s32 s30, v6  }
.LBB2_7:
0x68: {  	p0 =	sne.s32 s29, $0x9C00  }
0x69: {  	v4 =	vsub.s32 v4, v0  }
0x6a: {  	v4 =	vshll.u32 v4, $0xE  }
0x6b: {  	v4 =	vor.u32 v5, v4  }
0x6c: {  	s30 =	sshra.s32 s25, $0x2;
	s25 =	smov.u32 s29;
	[tilespmem:v6+s16+$0x0] =	vst.idx.msk vm0, v4  }
0x6d: {  	v4 =	vld [tilespmem:s30+$0x2780];
	_ =	sdelay $0x2  }
0x6e: {  	s31 =	spop (v2sf)  }
0x6f: {  	s28 =	sadd.s32 s28, s31  }
0x70: {  	vm0 =	vge.s32 v4, v0;
	vm1 =	vlt.s32 v4, v1  }
0x71: {  	vm0 =	vmand vm0, vm1  }
0x72: {  	v5 =	vsel vm0, $0x1, v3;
	v6 =	vmpcnt.ones.xlane vm0  }
0x73: {  	(xrf0) =	vadd.scan.msk.s32 $0xffff, v5  }
0x74: {  	(v2sf) =	vpush v6, $0x0;
	_ =	sdelay $0x1  }
.Ltmp2:
0x75: {  	(pc) =	sbr.rel @p0 .LBB2_7-.Ltmp2, $3  }
0x76: {  	_ =	sdelay $0x1  }
0x77: {  	v5 =	vld [tilespmem:s30+$0x7680];
	s30 =	sadd.s32 $0xFFFFFFFF, s28;
	v6, _, _ =	vpop (xrf0)  }
0x78: {  	s29 =	sadd.s32 $0x40, s29;
	v6 =	vadd.s32 s30, v6  }
0x79: {  	_ =	sdelay $0x1  }
0x7a: {  	v4 =	vsub.s32 v4, v0  }
0x7b: {  	v4 =	vshll.u32 v4, $0xE  }
0x7c: {  	v4 =	vor.u32 v5, v4  }
0x7d: {  	s25 =	sshra.s32 s25, $0x2;
	[tilespmem:v6+s16+$0x0] =	vst.idx.msk vm0, v4  }
0x7e: {  	v4 =	vld [tilespmem:s25+$0x2780];
	_ =	sdelay $0x4  }
0x7f: {  	vm15 =	vge.s32 v4, v0;
	vm1 =	vlt.s32 v4, v1  }
0x80: {  	vm0 =	vmand vm15, vm1  }
0x81: {  	v5 =	vmpcnt.ones.xlane vm0;
	_ =	sdelay $0x1  }
0x82: {  	(v2sf) =	vpush v5, $0x0;
	_ =	sdelay $0x2  }
0x83: {  	v5 =	vsel vm0, $0x1, v3  }
0x84: {  	(xrf0) =	vadd.scan.msk.s32 $0xffff, v5;
	_ =	sdelay $0x3  }
0x85: {  	s29 =	spop (v2sf)  }
0x86: {  	s28 =	sadd.s32 s28, s29  }
0x87: {  	s31 =	sadd.s32 $0xFFFFFFFF, s28;
	v5 =	vld [tilespmem:s25+$0x7680];
	v63, _, _ =	vpop (xrf0)  }
0x88: {  	v6 =	vadd.s32 s31, v63  }
0x89: {  	s29 =	sadd.s32 $0x7, s26  }
0x8a: {  	v4 =	vsub.s32 v4, v0;
	s25 =	sand.u32 $0xFFFFFFF8, s29  }
0x8b: {  	v4 =	vshll.u32 v4, $0xE;
	s22 =	sadd.s32 s22, s25  }
0x8c: {  	s24 =	sadd.s32 $0x1, s24;
	v4 =	vor.u32 v5, v4;
	s31 =	sadd.s32 s6, s22;
	s30 =	spop (v2sf)  }
0x8d: {  	p0 =	sne.s32 s24, $0xF;
	s26 =	sshrl.u32 s31, $0x3;
	[tilespmem:v6+s16+$0x0] =	vst.idx.msk vm0, v4;
	s25 =	sadd.s32 s28, s30  }
.Ltmp3:
0x8e: {  	s26 =	sadd.s32 s4, s26;
	[tilespmem:s25+$0x9E00] =	vst v2;
	(pc) =	sbr.rel @p0 .LBB2_4-.Ltmp3, $4  }
0x8f: {  	[hbm4b:s26+s5] =	stream.linear.scatter [tilespmem:s16], [sflag:$0x5], $0x2710, $0x38;
	[tilespmem:$0xC600] =	vst v63  }
0x90: {  	s25 =	sadd.s32 $0x7, s25;
	_ =	swait.ge [sflag:s17], $0x2710  }
0x91: {  	s25 =	sand.u32 $0xFFFFFFF8, s25;
	[sflag:s17] =	ssyncset.done $0x0  }
0x92: {  	s22 =	sadd.s32 s22, s25;
	[sflag:s17] =	ssyncadd.s32 $0xFFFFD8F0  }
0x93: {  	s23 =	simm.s32 $0x0  }
0x94: {  	[tilespmem:s12], [sflag:$0x3] =	stream.linear.gather [hbm4b:s7+s23], $0x2710, $0x38;
	[tilespmem:$0xC600] =	vst v63  }
0x95: {  	_ = 	snop  }
0x96: {  	[tilespmem:s13], [sflag:$0x4] =	stream.linear.gather [hbm4b:s8+s23], $0x2710, $0x38;
	[tilespmem:$0xC600] =	vst v63  }
0x97: {  	_ =	swait.ge [sflag:s14], $0x2710  }
0x98: {  	[sflag:s14] =	ssyncset.done $0x0  }
0x99: {  	[sflag:s14] =	ssyncadd.s32 $0xFFFFD8F0  }
0x9a: {  	_ =	swait.ge [sflag:s15], $0x2710  }
0x9b: {  	[sflag:s15] =	ssyncset.done $0x0  }
0x9c: {  	s25 =	simm.s32 $0x0;
	[sflag:s15] =	ssyncadd.s32 $0xFFFFD8F0  }
0x9d: {  	v4 =	vld [tilespmem:s25+$0x0];
	_ =	sdelay $0x4  }
0x9e: {  	vm0 =	vge.s32 v4, v0;
	vm1 =	vlt.s32 v4, v1  }
0x9f: {  	vm0 =	vmand vm0, vm1  }
0xa0: {  	v5 =	vsel vm0, $0x1, v3  }
0xa1: {  	(xrf0) =	vadd.scan.msk.s32 $0xffff, v5;
	v5 =	vmpcnt.ones.xlane vm0;
	_ =	sdelay $0x1  }
0xa2: {  	(v2sf) =	vpush v5, $0x0;
	_ =	sdelay $0x4  }
0xa3: {  	s26 =	simm.s32 $0xFFFFFFFF;
	v5 =	vld [tilespmem:s25+$0x4F00];
	v6, _, _ =	vpop (xrf0)  }
0xa4: {  	s24 =	simm.s32 $0x40;
	s25 =	simm.s32 $0x80;
	v6 =	vadd.s32 s26, v6  }
.LBB2_10:
0xa5: {  	p0 =	sne.s32 s25, $0x9C00  }
0xa6: {  	v4 =	vsub.s32 v4, v0  }
0xa7: {  	v4 =	vshll.u32 v4, $0xE  }
0xa8: {  	v4 =	vor.u32 v5, v4  }
0xa9: {  	s26 =	sshra.s32 s24, $0x2;
	s24 =	smov.u32 s25;
	[tilespmem:v6+s16+$0x0] =	vst.idx.msk vm0, v4  }
0xaa: {  	v4 =	vld [tilespmem:s26+$0x0];
	_ =	sdelay $0x2  }
0xab: {  	s28 =	spop (v2sf)  }
0xac: {  	s23 =	sadd.s32 s23, s28  }
0xad: {  	vm0 =	vge.s32 v4, v0;
	vm1 =	vlt.s32 v4, v1  }
0xae: {  	vm0 =	vmand vm0, vm1  }
0xaf: {  	v5 =	vsel vm0, $0x1, v3;
	v6 =	vmpcnt.ones.xlane vm0  }
0xb0: {  	(xrf0) =	vadd.scan.msk.s32 $0xffff, v5  }
0xb1: {  	(v2sf) =	vpush v6, $0x0;
	_ =	sdelay $0x1  }
.Ltmp4:
0xb2: {  	(pc) =	sbr.rel @p0 .LBB2_10-.Ltmp4, $3  }
0xb3: {  	_ =	sdelay $0x1  }
0xb4: {  	v5 =	vld [tilespmem:s26+$0x4F00];
	s26 =	sadd.s32 $0xFFFFFFFF, s23;
	v6, _, _ =	vpop (xrf0)  }
0xb5: {  	s25 =	sadd.s32 $0x40, s25;
	v6 =	vadd.s32 s26, v6  }
0xb6: {  	_ =	sdelay $0x1  }
0xb7: {  	v4 =	vsub.s32 v4, v0  }
0xb8: {  	v4 =	vshll.u32 v4, $0xE  }
0xb9: {  	v4 =	vor.u32 v5, v4  }
0xba: {  	s24 =	sshra.s32 s24, $0x2;
	[tilespmem:v6+s16+$0x0] =	vst.idx.msk vm0, v4  }
0xbb: {  	v4 =	vld [tilespmem:s24+$0x0];
	_ =	sdelay $0x4  }
0xbc: {  	vm0 =	vge.s32 v4, v0;
	vm1 =	vlt.s32 v4, v1  }
0xbd: {  	vm0 =	vmand vm0, vm1  }
0xbe: {  	v5 =	vmpcnt.ones.xlane vm0;
	_ =	sdelay $0x1  }
0xbf: {  	(v2sf) =	vpush v5, $0x0;
	_ =	sdelay $0x2  }
0xc0: {  	v5 =	vsel vm0, $0x1, v3  }
0xc1: {  	(xrf0) =	vadd.scan.msk.s32 $0xffff, v5;
	_ =	sdelay $0x3  }
0xc2: {  	s25 =	spop (v2sf)  }
0xc3: {  	s23 =	sadd.s32 s23, s25  }
0xc4: {  	s28 =	sadd.s32 $0xFFFFFFFF, s23;
	v5 =	vld [tilespmem:s24+$0x4F00];
	v6, _, _ =	vpop (xrf0)  }
0xc5: {  	v6 =	vadd.s32 s28, v6;
	_ =	sdelay $0x1  }
0xc6: {  	v4 =	vsub.s32 v4, v0  }
0xc7: {  	v4 =	vshll.u32 v4, $0xE  }
0xc8: {  	s30 =	sadd.s32 s6, s22;
	v4 =	vor.u32 v5, v4;
	s29 =	spop (v2sf)  }
0xc9: {  	s31 =	sshrl.u32 s30, $0x3;
	[tilespmem:v6+s16+$0x0] =	vst.idx.msk vm0, v4;
	s23 =	sadd.s32 s23, s29  }
0xca: {  	s25 =	sadd.s32 s4, s31;
	s24 =	simm.s32 $0x0;
	[tilespmem:s23+$0x9E00] =	vst v2  }
0xcb: {  	[hbm4b:s25+s24] =	stream.linear.scatter [tilespmem:s16], [sflag:$0x5], $0x2710, $0x38;
	[tilespmem:$0xC600] =	vst v63  }
0xcc: {  	_ =	swait.ge [sflag:s17], $0x2710  }
0xcd: {  	[sflag:s17] =	ssyncset.done $0x0  }
0xce: {  	[sflag:s17] =	ssyncadd.s32 $0xFFFFD8F0  }
0xcf: {  	_ =	swait.ge [sflag:s18], $0x2710  }
0xd0: {  	[sflag:s18] =	ssyncset.done $0x0  }
0xd1: {  	[sflag:s18] =	ssyncadd.s32 $0xFFFFD8F0  }
0xd2: {  	_ =	swait.ge [sflag:s19], $0x2710  }
0xd3: {  	[sflag:s19] =	ssyncset.done $0x0  }
0xd4: {  	s26 =	simm.s32 $0x0;
	[sflag:s19] =	ssyncadd.s32 $0xFFFFD8F0  }
0xd5: {  	v4 =	vld [tilespmem:s26+$0x2780];
	_ =	sdelay $0x4  }
0xd6: {  	vm0 =	vge.s32 v4, v0;
	vm1 =	vlt.s32 v4, v1  }
0xd7: {  	vm0 =	vmand vm0, vm1  }
0xd8: {  	v5 =	vsel vm0, $0x1, v3  }
0xd9: {  	(xrf0) =	vadd.scan.msk.s32 $0xffff, v5;
	v5 =	vmpcnt.ones.xlane vm0;
	_ =	sdelay $0x1  }
0xda: {  	(v2sf) =	vpush v5, $0x0;
	_ =	sdelay $0x4  }
0xdb: {  	s28 =	simm.s32 $0xFFFFFFFF;
	v5 =	vld [tilespmem:s26+$0x7680];
	v6, _, _ =	vpop (xrf0)  }
0xdc: {  	s25 =	simm.s32 $0x40;
	s26 =	simm.s32 $0x80;
	v6 =	vadd.s32 s28, v6  }
.LBB2_12:
0xdd: {  	p0 =	sne.s32 s26, $0x9C00  }
0xde: {  	v4 =	vsub.s32 v4, v0  }
0xdf: {  	v4 =	vshll.u32 v4, $0xE  }
0xe0: {  	v4 =	vor.u32 v5, v4  }
0xe1: {  	s28 =	sshra.s32 s25, $0x2;
	s25 =	smov.u32 s26;
	[tilespmem:v6+s16+$0x0] =	vst.idx.msk vm0, v4  }
0xe2: {  	v4 =	vld [tilespmem:s28+$0x2780];
	_ =	sdelay $0x2  }
0xe3: {  	s29 =	spop (v2sf)  }
0xe4: {  	s24 =	sadd.s32 s24, s29  }
0xe5: {  	vm0 =	vge.s32 v4, v0;
	vm1 =	vlt.s32 v4, v1  }
0xe6: {  	vm0 =	vmand vm0, vm1  }
0xe7: {  	v5 =	vsel vm0, $0x1, v3;
	v6 =	vmpcnt.ones.xlane vm0  }
0xe8: {  	(xrf0) =	vadd.scan.msk.s32 $0xffff, v5  }
0xe9: {  	(v2sf) =	vpush v6, $0x0;
	_ =	sdelay $0x1  }
.Ltmp5:
0xea: {  	(pc) =	sbr.rel @p0 .LBB2_12-.Ltmp5, $3  }
0xeb: {  	_ =	sdelay $0x1  }
0xec: {  	v5 =	vld [tilespmem:s28+$0x7680];
	s28 =	sadd.s32 $0xFFFFFFFF, s24;
	v6, _, _ =	vpop (xrf0)  }
0xed: {  	s26 =	sadd.s32 $0x40, s26;
	v6 =	vadd.s32 s28, v6  }
0xee: {  	_ =	sdelay $0x1  }
0xef: {  	v4 =	vsub.s32 v4, v0  }
0xf0: {  	v4 =	vshll.u32 v4, $0xE  }
0xf1: {  	v4 =	vor.u32 v5, v4  }
0xf2: {  	s25 =	sshra.s32 s25, $0x2;
	[tilespmem:v6+s16+$0x0] =	vst.idx.msk vm0, v4  }
0xf3: {  	v4 =	vld [tilespmem:s25+$0x2780];
	_ =	sdelay $0x4  }
0xf4: {  	vm15 =	vge.s32 v4, v0;
	vm1 =	vlt.s32 v4, v1  }
0xf5: {  	vm0 =	vmand vm15, vm1  }
0xf6: {  	v5 =	vmpcnt.ones.xlane vm0;
	_ =	sdelay $0x1  }
0xf7: {  	(v2sf) =	vpush v5, $0x0;
	_ =	sdelay $0x2  }
0xf8: {  	v5 =	vsel vm0, $0x1, v3  }
0xf9: {  	(xrf0) =	vadd.scan.msk.s32 $0xffff, v5;
	_ =	sdelay $0x3  }
0xfa: {  	s26 =	spop (v2sf)  }
0xfb: {  	s24 =	sadd.s32 s24, s26  }
0xfc: {  	s28 =	sadd.s32 $0xFFFFFFFF, s24;
	v5 =	vld [tilespmem:s25+$0x7680];
	v63, _, _ =	vpop (xrf0)  }
0xfd: {  	v6 =	vadd.s32 s28, v63  }
0xfe: {  	s23 =	sadd.s32 $0x7, s23  }
0xff: {  	s23 =	sand.u32 $0xFFFFFFF8, s23;
	v4 =	vsub.s32 v4, v0  }
0x100: {  	s22 =	sadd.s32 s22, s23;
	v4 =	vshll.u32 v4, $0xE  }
0x101: {  	s30 =	sadd.s32 s6, s22;
	v4 =	vor.u32 v5, v4;
	s29 =	spop (v2sf)  }
0x102: {  	s31 =	sshrl.u32 s30, $0x3;
	[tilespmem:v6+s16+$0x0] =	vst.idx.msk vm0, v4;
	s23 =	sadd.s32 s24, s29  }
0x103: {  	s24 =	sadd.s32 s4, s31;
	[tilespmem:s23+$0x9E00] =	vst v2;
	s23 =	sadd.s32 $0x7, s23  }
0x104: {  	[hbm4b:s24+s5] =	stream.linear.scatter [tilespmem:s16], [sflag:$0x5], $0x2710, $0x38;
	[tilespmem:$0xC600] =	vst v63  }
0x105: {  	s23 =	sand.u32 $0xFFFFFFF8, s23  }
0x106: {  	s22 =	sadd.s32 s22, s23  }
0x107: {  	_ =	swait.ge [sflag:s17], $0x2710;
	s23 =	sadd.s32 s6, s22  }
0x108: {  	[sflag:s17] =	ssyncset.done $0x0;
	s23 =	sshrl.u32 s23, $0x3  }
0x109: {  	[sflag:s17] =	ssyncadd.s32 $0xFFFFD8F0;
	s23 =	sadd.s32 s4, s23  }
0x10a: {  	[hbm4b:s23+s5] =	stream.linear.scatter [tilespmem:s16], [sflag:$0x5], $0x2710, $0x38;
	[tilespmem:$0xC600] =	vst v63  }
0x10b: {  	_ =	swait.ge [sflag:s17], $0x2710  }
0x10c: {  	s21 =	sadd.s32 $0x1, s21;
	[sflag:s17] =	ssyncset.done $0x0  }
0x10d: {  	p0 =	sne.s32 s21, s10;
	v4 =	vmov s22;
	[sflag:s17] =	ssyncadd.s32 $0xFFFFD8F0  }
.Ltmp6:
0x10e: {  	[tilespmem:$0xC580] =	vst v4;
	(pc) =	sbr.rel @p0 .LBB2_1-.Ltmp6, $4  }
0x10f: {  	[hbm4b:s9+s5] =	stream.linear.scatter [tilespmem:s20], [sflag:$0x5], $0x10, $0x38;
	[tilespmem:$0xC600] =	vst v63  }
0x110: {  	_ =	swait.ge [sflag:s17], $0x10  }
0x111: {  	[sflag:s17] =	ssyncset.done $0x0  }
0x112: {  	[sflag:s17] =	ssyncadd.s32 $0xFFFFFFF0  }
0x113: {  	_ =	sfence.sel $0x180000  }
0x114: {  	[bflag:$0x0] =	sbarrier.arrive $0xFFFF  }
0x115: {  	p0 =	sne.s32 s0, $0x0;
	_ =	strace $0x90000047  }
0x116: {  	s0 =	sadd.s32 @!p0 $0x100000, s3;
	[bflag:$0x2] =	sbarrier.arrive $0xFFFF  }
0x117: {  	[sflag:s0] =	ssyncadd.tile.s32 @!p0 $0x1;
	_ =	shalt  }
.Lfunc_end2:
_tile_overlayer_lowered:
.L_overlay_start_2:
0x118: {  	(tag) =	ssettag $0x2  }
0x119: {  	s0 =	rddreg [dreg:$0x0];
	s2 =	stileid.u32  }
0x11a: {  	s1 =	rddreg [dreg:$0x1];
	p0 =	sne.s32 s2, $0x0  }
0x11b: {  	s3 =	rddreg [dreg:$0x2];
	[bflag:$0x3] =	sbarrier.arrive $0xFFFF;
	s2 =	simm.s32 @!p0 $0x1C05  }
0x11c: {  	[timem:s3], [sflag:s2] =	dma.local @!p0 [hbm:s0], s1  }
0x11d: {  	s0 =	simm.s32 @!p0 $0x5  }
0x11e: {  	_ =	swait.ge @!p0 [sflag:s0], s1  }
0x11f: {  	s1 =	ssub.s32 @!p0 $0x0, s1;
	[sflag:s0] =	ssyncset.done @!p0 $0x0  }
0x120: {  	[sflag:s0] =	ssyncadd.s32 @!p0 s1  }
0x121: {  	[bflag:$0x3] =	sbarrier.arrive $0xFFFF  }
0x122: {  	_ =	shalt  }

</sc_bundles>
